<compile_context>
chip_gen: v7x
topology: tpu7x:2x2x1
jax: 0.10.2.dev20260603
libtpu: 0.0.44.dev20260713+nightly
codegen_flags: <defaults>
</compile_context>

<pallas_src>
import functools

import jax
import jax.numpy as jnp
from jax import lax
from jax.experimental import pallas as pl
from jax.experimental.pallas import tpu as pltpu
from jax.experimental.pallas import tpu_sc as plsc

MARGIN_ = 1.0
N_RULES = 100000
L = 16
NW = 16
CHUNK = 6272
LAST = N_RULES - (NW - 1) * CHUNK
NEG = float("-inf")
UNROLL = 4


def _hnl_body(rs_hbm, forb_hbm, out_hbm,
              chunk_v, forb_v, tgt_v, pos_v, tloc_v, cand_v, out_v,
              shared, sem, *sems):
    cid = lax.axis_index("c")
    wid = lax.axis_index("s")

    @pl.when(cid == 0)
    def _work():
        base = wid * CHUNK
        neg_vec = jnp.full((L,), NEG, jnp.float32)

        with jax.named_scope("hnl_stage"):
            S = LAST // 4
            cps = [
                pltpu.async_copy(rs_hbm.at[pl.ds(base + j * S, S)],
                                 chunk_v.at[pl.ds(j * S, S)], sems[j])
                for j in range(4)
            ]
            tail_src = jnp.where(wid == NW - 1, 0, base + LAST)
            cp_t = pltpu.async_copy(rs_hbm.at[pl.ds(tail_src, CHUNK - LAST)],
                                    chunk_v.at[pl.ds(LAST, CHUNK - LAST)],
                                    sems[4])
            pltpu.sync_copy(forb_hbm, forb_v)
            tvec = forb_v[pl.ds(0, L)]

            for cp in cps:
                cp.wait()
            cp_t.wait()

            @pl.when(wid == NW - 1)
            def _pad():
                for j in range((CHUNK - LAST) // L):
                    chunk_v[pl.ds(LAST + j * L, L)] = neg_vec

        with jax.named_scope("hnl_scatter"):
            for j in range(5):
                ids = forb_v[pl.ds(j * L, L)]
                local = ids - base
                ok = (local >= 0) & (local < CHUNK)
                clamped = jnp.minimum(jnp.maximum(local, 0), CHUNK - 1)
                plsc.store_scatter(chunk_v, [clamped], neg_vec, mask=ok)

        def insert(ts, v):
            out = []
            for t in ts:
                hi = jnp.maximum(t, v)
                v = jnp.minimum(t, v)
                out.append(hi)
            return tuple(out)

        def step(i, ch):
            new = []
            for u in range(UNROLL):
                v = chunk_v[pl.ds((i * UNROLL + u) * L, L)]
                new.append(insert(ch[u], v))
            return tuple(new)

        init = tuple((neg_vec,) * 5 for _ in range(UNROLL))
        with jax.named_scope("hnl_loop"):
            chains = lax.fori_loop(0, CHUNK // (L * UNROLL), step, init)

        ts = chains[0]
        for u in range(1, UNROLL):
            for v in chains[u]:
                ts = insert(ts, v)

        s, _ = plsc.sort_key_val(ts[0], ts[0], descending=True)
        for j in range(1, 5):
            b, _ = plsc.sort_key_val(ts[j], ts[j], descending=True)
            c = jnp.maximum(s, lax.rev(b, (0,)))
            s, _ = plsc.sort_key_val(c, c, descending=True)

        @pl.when(wid == 0)
        def _pos():
            tgt_v[...] = tvec
            pltpu.async_copy(rs_hbm.at[tgt_v], pos_v, sem).wait()

        with jax.named_scope("hnl_pub"):
            tloc_v[...] = s
            pltpu.sync_copy(tloc_v, shared.at[pl.ds(wid * L, L)])
            plsc.subcore_barrier()

        @pl.when(wid == 0)
        def _merge():
          with jax.named_scope("hnl_merge"):
            pltpu.sync_copy(shared, cand_v)
            m = cand_v[pl.ds(0, L)]
            for k in range(1, NW):
                b = cand_v[pl.ds(k * L, L)]
                c = jnp.maximum(m, lax.rev(b, (0,)))
                m, _ = plsc.sort_key_val(c, c, descending=True)

            lane = lax.iota(jnp.int32, L)
            f = jnp.maximum(MARGIN_ - pos_v[...] + m, 0.0)
            sel = jnp.where(lane < 5, f, 0.0)
            loss = jnp.sum(sel) * (1.0 / 5.0)
            out_v[...] = jnp.broadcast_to(loss, (L,))
            pltpu.sync_copy(out_v, out_hbm)


_hnl = functools.partial(
    pl.kernel,
    out_type=jax.ShapeDtypeStruct((L,), jnp.float32),
    mesh=plsc.VectorSubcoreMesh(core_axis_name="c", subcore_axis_name="s",
                                num_cores=1),
    compiler_params=pltpu.CompilerParams(needs_layout_passes=False,
                                         disable_bounds_checks=True,
                                         disable_semaphore_checks=True),
    scratch_types=[
        pltpu.VMEM((CHUNK,), jnp.float32),
        pltpu.VMEM((80,), jnp.int32),
        pltpu.VMEM((L,), jnp.int32),
        pltpu.VMEM((L,), jnp.float32),
        pltpu.VMEM((L,), jnp.float32),
        pltpu.VMEM((NW * L,), jnp.float32),
        pltpu.VMEM((L,), jnp.float32),
        pltpu.VMEM_SHARED((NW * L,), jnp.float32),
        pltpu.SemaphoreType.DMA,
        pltpu.SemaphoreType.DMA,
        pltpu.SemaphoreType.DMA,
        pltpu.SemaphoreType.DMA,
        pltpu.SemaphoreType.DMA,
        pltpu.SemaphoreType.DMA,
    ],
)(_hnl_body)


def kernel(rule_scores, target_rule, available_rules):
    tgt = jnp.asarray(target_rule, jnp.int32)
    forb = jnp.concatenate(
        [jnp.broadcast_to(tgt, (L,)), available_rules.astype(jnp.int32)])
    out16 = _hnl(rule_scores, forb)
    return out16[0]

# --- scband reference (transcript-rebuilt; emitter-appended) ---
"""Pipeline reference for scband-hard-negative-loss-29197187678461 (READ-ONLY COPY).

The authoritative reference and input builder live on the scoring server;
editing this copy changes nothing except your own understanding.
"""

import jax, jax.numpy as jnp
import numpy as np

MARGIN = 1.0

def setup_inputs(seed: int = 0) -> dict:
    key = jax.random.key(seed)
    k1, k2 = jax.random.split(key)
    rule_scores = jax.random.normal(k1, (100000,), dtype=jnp.float32)
    target_rule = 42
    available_rules = jax.random.randint(k2, (64,), 0, 100000, dtype=jnp.int64 if jax.config.jax_enable_x64 else jnp.int32)
    return {"rule_scores": rule_scores, "target_rule": target_rule, "available_rules": available_rules}

def reference(rule_scores, target_rule, available_rules):
    num_rules = rule_scores.shape[0]
    # hard negatives: all rule ids except target_rule and any id in available_rules
    mask = jnp.ones((num_rules,), dtype=bool)
    mask = mask.at[target_rule].set(False)
    mask = mask.at[available_rules].set(False)
    positive_score = rule_scores[target_rule]
    # gather hard-negative scores (mask others to -inf), then top-k (k=5 since #hard_neg >= 5)
    neg_scores = jnp.where(mask, rule_scores, -jnp.inf)
    top_scores, _ = jax.lax.top_k(neg_scores, 5)
    hard_losses = jax.nn.relu(MARGIN - (positive_score - top_scores))
    hard_loss = hard_losses.mean()
    return hard_loss

if __name__ == "__main__":
    import jax
    _d = setup_inputs()
    print(jax.jit(kernel)(*tuple(_d.values())))

</pallas_src>

<mosaic_0001>
#map = affine_map<(d0, d1) -> (0)>
module attributes {stable_mosaic.version = 14 : i64} {
  func.func @_hnl_body(%arg0: i32, %arg1: i32, %arg2: memref<100000xf32, #tpu.memory_space<hbm>>, %arg3: memref<80xi32, #tpu.memory_space<hbm>>, %arg4: memref<16xf32, #tpu.memory_space<hbm>>, %arg5: memref<6272xf32, #tpu.memory_space<vmem>>, %arg6: memref<80xi32, #tpu.memory_space<vmem>>, %arg7: memref<16xi32, #tpu.memory_space<vmem>>, %arg8: memref<16xf32, #tpu.memory_space<vmem>>, %arg9: memref<16xf32, #tpu.memory_space<vmem>>, %arg10: memref<256xf32, #tpu.memory_space<vmem>>, %arg11: memref<16xf32, #tpu.memory_space<vmem>>, %arg12: memref<256xf32, #tpu.memory_space<vmem_shared>>, %arg13: memref<!tpu.dma_semaphore, #tpu.memory_space<semaphore_mem>>, %arg14: memref<!tpu.dma_semaphore, #tpu.memory_space<semaphore_mem>>, %arg15: memref<!tpu.dma_semaphore, #tpu.memory_space<semaphore_mem>>, %arg16: memref<!tpu.dma_semaphore, #tpu.memory_space<semaphore_mem>>, %arg17: memref<!tpu.dma_semaphore, #tpu.memory_space<semaphore_mem>>, %arg18: memref<!tpu.dma_semaphore, #tpu.memory_space<semaphore_mem>>) attributes {dimension_semantics = [#tpu.dimension_semantics<core_parallel>, #tpu.dimension_semantics<subcore_parallel>], iteration_bounds = array<i64: 1, 16>, scalar_prefetch = 0 : i64, scratch_operands = 14 : i64, tpu.core_type = #tpu.core_type<sc_vector_subcore>, window_params = [{transform_indices = #map}, {transform_indices = #map}, {transform_indices = #map}]} {
    %eq3A = arith.constant 0 : i32
    %eq3A_0 = arith.cmpi eq, %arg0, %eq3A : i32
    %convert_element_type3A = arith.extui %eq3A_0 : i1 to i32
    %cond3A = arith.constant 0 : i32
    %cond3A_1 = arith.cmpi ne, %convert_element_type3A, %cond3A : i32
    scf.if %cond3A_1 {
      %mul3A = arith.constant 6272 : i32
      %mul3A_2 = arith.muli %arg1, %mul3A : i32
      %broadcast_in_dim3A = arith.constant 0xFF800000 : f32
      %broadcast_in_dim3A_3 = vector.broadcast %broadcast_in_dim3A : f32 to vector<16xf32>
      "tpu.trace_start"() <{level = 10 : i32, message = "hnl_stage"}> : () -> ()
      %add3A = arith.constant 0 : i32
      %add3A_4 = arith.addi %mul3A_2, %add3A : i32
      %dma_start3A = arith.constant 0 : i32
      %dma_start3A_5 = tpu.memref_slice %arg5[%dma_start3A] : memref<6272xf32, #tpu.memory_space<vmem>> -> memref<1480xf32, #tpu.memory_space<vmem>>
      %dma_start3A_6 = tpu.memref_slice %arg2[%add3A_4] : memref<100000xf32, #tpu.memory_space<hbm>> -> memref<1480xf32, #tpu.memory_space<hbm>>
      %dma_start3A_7 = arith.constant 0 : i32
      %dma_start3A_8 = tpu.memref_slice %arg5[%dma_start3A_7] : memref<6272xf32, #tpu.memory_space<vmem>> -> memref<1480xf32, #tpu.memory_space<vmem>>
      %dma_start3A_9 = tpu.memref_slice %arg2[%add3A_4] : memref<100000xf32, #tpu.memory_space<hbm>> -> memref<1480xf32, #tpu.memory_space<hbm>>
      tpu.enqueue_dma source(%dma_start3A_9 : memref<1480xf32, #tpu.memory_space<hbm>>) target(%dma_start3A_8 : memref<1480xf32, #tpu.memory_space<vmem>>) target_semaphore(%arg14 : memref<!tpu.dma_semaphore, #tpu.memory_space<semaphore_mem>>)
      %add3A_10 = arith.constant 1480 : i32
      %add3A_11 = arith.addi %mul3A_2, %add3A_10 : i32
      %dma_start3A_12 = arith.constant 1480 : i32
      %dma_start3A_13 = tpu.memref_slice %arg5[%dma_start3A_12] : memref<6272xf32, #tpu.memory_space<vmem>> -> memref<1480xf32, #tpu.memory_space<vmem>>
      %dma_start3A_14 = tpu.memref_slice %arg2[%add3A_11] : memref<100000xf32, #tpu.memory_space<hbm>> -> memref<1480xf32, #tpu.memory_space<hbm>>
      %dma_start3A_15 = arith.constant 1480 : i32
      %dma_start3A_16 = tpu.memref_slice %arg5[%dma_start3A_15] : memref<6272xf32, #tpu.memory_space<vmem>> -> memref<1480xf32, #tpu.memory_space<vmem>>
      %dma_start3A_17 = tpu.memref_slice %arg2[%add3A_11] : memref<100000xf32, #tpu.memory_space<hbm>> -> memref<1480xf32, #tpu.memory_space<hbm>>
      tpu.enqueue_dma source(%dma_start3A_17 : memref<1480xf32, #tpu.memory_space<hbm>>) target(%dma_start3A_16 : memref<1480xf32, #tpu.memory_space<vmem>>) target_semaphore(%arg15 : memref<!tpu.dma_semaphore, #tpu.memory_space<semaphore_mem>>)
      %add3A_18 = arith.constant 2960 : i32
      %add3A_19 = arith.addi %mul3A_2, %add3A_18 : i32
      %dma_start3A_20 = arith.constant 2960 : i32
      %dma_start3A_21 = tpu.memref_slice %arg5[%dma_start3A_20] : memref<6272xf32, #tpu.memory_space<vmem>> -> memref<1480xf32, #tpu.memory_space<vmem>>
      %dma_start3A_22 = tpu.memref_slice %arg2[%add3A_19] : memref<100000xf32, #tpu.memory_space<hbm>> -> memref<1480xf32, #tpu.memory_space<hbm>>
      %dma_start3A_23 = arith.constant 2960 : i32
      %dma_start3A_24 = tpu.memref_slice %arg5[%dma_start3A_23] : memref<6272xf32, #tpu.memory_space<vmem>> -> memref<1480xf32, #tpu.memory_space<vmem>>
      %dma_start3A_25 = tpu.memref_slice %arg2[%add3A_19] : memref<100000xf32, #tpu.memory_space<hbm>> -> memref<1480xf32, #tpu.memory_space<hbm>>
      tpu.enqueue_dma source(%dma_start3A_25 : memref<1480xf32, #tpu.memory_space<hbm>>) target(%dma_start3A_24 : memref<1480xf32, #tpu.memory_space<vmem>>) target_semaphore(%arg16 : memref<!tpu.dma_semaphore, #tpu.memory_space<semaphore_mem>>)
      %add3A_26 = arith.constant 4440 : i32
      %add3A_27 = arith.addi %mul3A_2, %add3A_26 : i32
      %dma_start3A_28 = arith.constant 4440 : i32
      %dma_start3A_29 = tpu.memref_slice %arg5[%dma_start3A_28] : memref<6272xf32, #tpu.memory_space<vmem>> -> memref<1480xf32, #tpu.memory_space<vmem>>
      %dma_start3A_30 = tpu.memref_slice %arg2[%add3A_27] : memref<100000xf32, #tpu.memory_space<hbm>> -> memref<1480xf32, #tpu.memory_space<hbm>>
      %dma_start3A_31 = arith.constant 4440 : i32
      %dma_start3A_32 = tpu.memref_slice %arg5[%dma_start3A_31] : memref<6272xf32, #tpu.memory_space<vmem>> -> memref<1480xf32, #tpu.memory_space<vmem>>
      %dma_start3A_33 = tpu.memref_slice %arg2[%add3A_27] : memref<100000xf32, #tpu.memory_space<hbm>> -> memref<1480xf32, #tpu.memory_space<hbm>>
      tpu.enqueue_dma source(%dma_start3A_33 : memref<1480xf32, #tpu.memory_space<hbm>>) target(%dma_start3A_32 : memref<1480xf32, #tpu.memory_space<vmem>>) target_semaphore(%arg17 : memref<!tpu.dma_semaphore, #tpu.memory_space<semaphore_mem>>)
      %eq3A_34 = arith.constant 15 : i32
      %eq3A_35 = arith.cmpi eq, %arg1, %eq3A_34 : i32
      %add3A_36 = arith.constant 5920 : i32
      %add3A_37 = arith.addi %mul3A_2, %add3A_36 : i32
      %jit3A = arith.constant 0 : i32
      %select_n3A = arith.select %eq3A_35, %jit3A, %add3A_37 : i32
      %dma_start3A_38 = arith.constant 5920 : i32
      %dma_start3A_39 = tpu.memref_slice %arg5[%dma_start3A_38] : memref<6272xf32, #tpu.memory_space<vmem>> -> memref<352xf32, #tpu.memory_space<vmem>>
      %dma_start3A_40 = tpu.memref_slice %arg2[%select_n3A] : memref<100000xf32, #tpu.memory_space<hbm>> -> memref<352xf32, #tpu.memory_space<hbm>>
      %dma_start3A_41 = arith.constant 5920 : i32
      %dma_start3A_42 = tpu.memref_slice %arg5[%dma_start3A_41] : memref<6272xf32, #tpu.memory_space<vmem>> -> memref<352xf32, #tpu.memory_space<vmem>>
      %dma_start3A_43 = tpu.memref_slice %arg2[%select_n3A] : memref<100000xf32, #tpu.memory_space<hbm>> -> memref<352xf32, #tpu.memory_space<hbm>>
      tpu.enqueue_dma source(%dma_start3A_43 : memref<352xf32, #tpu.memory_space<hbm>>) target(%dma_start3A_42 : memref<352xf32, #tpu.memory_space<vmem>>) target_semaphore(%arg18 : memref<!tpu.dma_semaphore, #tpu.memory_space<semaphore_mem>>)
      "tpu.region"() ({
        %run_scoped3A = tpu.sem_alloc : memref<!tpu.dma_semaphore, #tpu.memory_space<semaphore_mem>>
        tpu.enqueue_dma source(%arg3 : memref<80xi32, #tpu.memory_space<hbm>>) target(%arg6 : memref<80xi32, #tpu.memory_space<vmem>>) target_semaphore(%run_scoped3A : memref<!tpu.dma_semaphore, #tpu.memory_space<semaphore_mem>>)
        tpu.wait_dma2 semaphore(%run_scoped3A : memref<!tpu.dma_semaphore, #tpu.memory_space<semaphore_mem>>) src(%arg3 : memref<80xi32, #tpu.memory_space<hbm>>) dst(%arg6 : memref<80xi32, #tpu.memory_space<vmem>>)
        tpu.yield
      }) : () -> ()
      %get3A = arith.constant 0 : index
      %get3A_44 = tpu.vector_load %arg6[%get3A] {strides = array<i32>} : memref<80xi32, #tpu.memory_space<vmem>>, vector<16xi32>,
      %dma_wait3A = arith.constant 0 : i32
      %dma_wait3A_45 = tpu.memref_slice %arg5[%dma_wait3A] : memref<6272xf32, #tpu.memory_space<vmem>> -> memref<1480xf32, #tpu.memory_space<vmem>>
      %dma_wait3A_46 = tpu.memref_slice %arg2[%add3A_4] : memref<100000xf32, #tpu.memory_space<hbm>> -> memref<1480xf32, #tpu.memory_space<hbm>>
      %dma_wait3A_47 = arith.constant 0 : i32
      %dma_wait3A_48 = tpu.memref_slice %arg5[%dma_wait3A_47] : memref<6272xf32, #tpu.memory_space<vmem>> -> memref<1480xf32, #tpu.memory_space<vmem>>
      %dma_wait3A_49 = tpu.memref_slice %arg2[%add3A_4] : memref<100000xf32, #tpu.memory_space<hbm>> -> memref<1480xf32, #tpu.memory_space<hbm>>
      tpu.wait_dma2 semaphore(%arg14 : memref<!tpu.dma_semaphore, #tpu.memory_space<semaphore_mem>>) src(%dma_wait3A_49 : memref<1480xf32, #tpu.memory_space<hbm>>) dst(%dma_wait3A_48 : memref<1480xf32, #tpu.memory_space<vmem>>)
      %dma_wait3A_50 = arith.constant 1480 : i32
      %dma_wait3A_51 = tpu.memref_slice %arg5[%dma_wait3A_50] : memref<6272xf32, #tpu.memory_space<vmem>> -> memref<1480xf32, #tpu.memory_space<vmem>>
      %dma_wait3A_52 = tpu.memref_slice %arg2[%add3A_11] : memref<100000xf32, #tpu.memory_space<hbm>> -> memref<1480xf32, #tpu.memory_space<hbm>>
      %dma_wait3A_53 = arith.constant 1480 : i32
      %dma_wait3A_54 = tpu.memref_slice %arg5[%dma_wait3A_53] : memref<6272xf32, #tpu.memory_space<vmem>> -> memref<1480xf32, #tpu.memory_space<vmem>>
      %dma_wait3A_55 = tpu.memref_slice %arg2[%add3A_11] : memref<100000xf32, #tpu.memory_space<hbm>> -> memref<1480xf32, #tpu.memory_space<hbm>>
      tpu.wait_dma2 semaphore(%arg15 : memref<!tpu.dma_semaphore, #tpu.memory_space<semaphore_mem>>) src(%dma_wait3A_55 : memref<1480xf32, #tpu.memory_space<hbm>>) dst(%dma_wait3A_54 : memref<1480xf32, #tpu.memory_space<vmem>>)
      %dma_wait3A_56 = arith.constant 2960 : i32
      %dma_wait3A_57 = tpu.memref_slice %arg5[%dma_wait3A_56] : memref<6272xf32, #tpu.memory_space<vmem>> -> memref<1480xf32, #tpu.memory_space<vmem>>
      %dma_wait3A_58 = tpu.memref_slice %arg2[%add3A_19] : memref<100000xf32, #tpu.memory_space<hbm>> -> memref<1480xf32, #tpu.memory_space<hbm>>
      %dma_wait3A_59 = arith.constant 2960 : i32
      %dma_wait3A_60 = tpu.memref_slice %arg5[%dma_wait3A_59] : memref<6272xf32, #tpu.memory_space<vmem>> -> memref<1480xf32, #tpu.memory_space<vmem>>
      %dma_wait3A_61 = tpu.memref_slice %arg2[%add3A_19] : memref<100000xf32, #tpu.memory_space<hbm>> -> memref<1480xf32, #tpu.memory_space<hbm>>
      tpu.wait_dma2 semaphore(%arg16 : memref<!tpu.dma_semaphore, #tpu.memory_space<semaphore_mem>>) src(%dma_wait3A_61 : memref<1480xf32, #tpu.memory_space<hbm>>) dst(%dma_wait3A_60 : memref<1480xf32, #tpu.memory_space<vmem>>)
      %dma_wait3A_62 = arith.constant 4440 : i32
      %dma_wait3A_63 = tpu.memref_slice %arg5[%dma_wait3A_62] : memref<6272xf32, #tpu.memory_space<vmem>> -> memref<1480xf32, #tpu.memory_space<vmem>>
      %dma_wait3A_64 = tpu.memref_slice %arg2[%add3A_27] : memref<100000xf32, #tpu.memory_space<hbm>> -> memref<1480xf32, #tpu.memory_space<hbm>>
      %dma_wait3A_65 = arith.constant 4440 : i32
      %dma_wait3A_66 = tpu.memref_slice %arg5[%dma_wait3A_65] : memref<6272xf32, #tpu.memory_space<vmem>> -> memref<1480xf32, #tpu.memory_space<vmem>>
      %dma_wait3A_67 = tpu.memref_slice %arg2[%add3A_27] : memref<100000xf32, #tpu.memory_space<hbm>> -> memref<1480xf32, #tpu.memory_space<hbm>>
      tpu.wait_dma2 semaphore(%arg17 : memref<!tpu.dma_semaphore, #tpu.memory_space<semaphore_mem>>) src(%dma_wait3A_67 : memref<1480xf32, #tpu.memory_space<hbm>>) dst(%dma_wait3A_66 : memref<1480xf32, #tpu.memory_space<vmem>>)
      %dma_wait3A_68 = arith.constant 5920 : i32
      %dma_wait3A_69 = tpu.memref_slice %arg5[%dma_wait3A_68] : memref<6272xf32, #tpu.memory_space<vmem>> -> memref<352xf32, #tpu.memory_space<vmem>>
      %dma_wait3A_70 = tpu.memref_slice %arg2[%select_n3A] : memref<100000xf32, #tpu.memory_space<hbm>> -> memref<352xf32, #tpu.memory_space<hbm>>
      %dma_wait3A_71 = arith.constant 5920 : i32
      %dma_wait3A_72 = tpu.memref_slice %arg5[%dma_wait3A_71] : memref<6272xf32, #tpu.memory_space<vmem>> -> memref<352xf32, #tpu.memory_space<vmem>>
      %dma_wait3A_73 = tpu.memref_slice %arg2[%select_n3A] : memref<100000xf32, #tpu.memory_space<hbm>> -> memref<352xf32, #tpu.memory_space<hbm>>
      tpu.wait_dma2 semaphore(%arg18 : memref<!tpu.dma_semaphore, #tpu.memory_space<semaphore_mem>>) src(%dma_wait3A_73 : memref<352xf32, #tpu.memory_space<hbm>>) dst(%dma_wait3A_72 : memref<352xf32, #tpu.memory_space<vmem>>)
      %eq3A_74 = arith.constant 15 : i32
      %eq3A_75 = arith.cmpi eq, %arg1, %eq3A_74 : i32
      %convert_element_type3A_76 = arith.extui %eq3A_75 : i1 to i32
      %cond3A_77 = arith.constant 0 : i32
      %cond3A_78 = arith.cmpi ne, %convert_element_type3A_76, %cond3A_77 : i32
      scf.if %cond3A_78 {
        %swap3A_384 = arith.constant 5920 : index
        %swap3A_385 = tpu.vector_load %arg5[%swap3A_384] {strides = array<i32>} : memref<6272xf32, #tpu.memory_space<vmem>>, vector<16xf32>,
        tpu.vector_store %arg5[%swap3A_384], %broadcast_in_dim3A_3 {strides = array<i32>} : memref<6272xf32, #tpu.memory_space<vmem>>, vector<16xf32>,
        %swap3A_386 = arith.constant 5936 : index
        %swap3A_387 = tpu.vector_load %arg5[%swap3A_386] {strides = array<i32>} : memref<6272xf32, #tpu.memory_space<vmem>>, vector<16xf32>,
        tpu.vector_store %arg5[%swap3A_386], %broadcast_in_dim3A_3 {strides = array<i32>} : memref<6272xf32, #tpu.memory_space<vmem>>, vector<16xf32>,
        %swap3A_388 = arith.constant 5952 : index
        %swap3A_389 = tpu.vector_load %arg5[%swap3A_388] {strides = array<i32>} : memref<6272xf32, #tpu.memory_space<vmem>>, vector<16xf32>,
        tpu.vector_store %arg5[%swap3A_388], %broadcast_in_dim3A_3 {strides = array<i32>} : memref<6272xf32, #tpu.memory_space<vmem>>, vector<16xf32>,
        %swap3A_390 = arith.constant 5968 : index
        %swap3A_391 = tpu.vector_load %arg5[%swap3A_390] {strides = array<i32>} : memref<6272xf32, #tpu.memory_space<vmem>>, vector<16xf32>,
        tpu.vector_store %arg5[%swap3A_390], %broadcast_in_dim3A_3 {strides = array<i32>} : memref<6272xf32, #tpu.memory_space<vmem>>, vector<16xf32>,
        %swap3A_392 = arith.constant 5984 : index
        %swap3A_393 = tpu.vector_load %arg5[%swap3A_392] {strides = array<i32>} : memref<6272xf32, #tpu.memory_space<vmem>>, vector<16xf32>,
        tpu.vector_store %arg5[%swap3A_392], %broadcast_in_dim3A_3 {strides = array<i32>} : memref<6272xf32, #tpu.memory_space<vmem>>, vector<16xf32>,
        %swap3A_394 = arith.constant 6000 : index
        %swap3A_395 = tpu.vector_load %arg5[%swap3A_394] {strides = array<i32>} : memref<6272xf32, #tpu.memory_space<vmem>>, vector<16xf32>,
        tpu.vector_store %arg5[%swap3A_394], %broadcast_in_dim3A_3 {strides = array<i32>} : memref<6272xf32, #tpu.memory_space<vmem>>, vector<16xf32>,
        %swap3A_396 = arith.constant 6016 : index
        %swap3A_397 = tpu.vector_load %arg5[%swap3A_396] {strides = array<i32>} : memref<6272xf32, #tpu.memory_space<vmem>>, vector<16xf32>,
        tpu.vector_store %arg5[%swap3A_396], %broadcast_in_dim3A_3 {strides = array<i32>} : memref<6272xf32, #tpu.memory_space<vmem>>, vector<16xf32>,
        %swap3A_398 = arith.constant 6032 : index
        %swap3A_399 = tpu.vector_load %arg5[%swap3A_398] {strides = array<i32>} : memref<6272xf32, #tpu.memory_space<vmem>>, vector<16xf32>,
        tpu.vector_store %arg5[%swap3A_398], %broadcast_in_dim3A_3 {strides = array<i32>} : memref<6272xf32, #tpu.memory_space<vmem>>, vector<16xf32>,
        %swap3A_400 = arith.constant 6048 : index
        %swap3A_401 = tpu.vector_load %arg5[%swap3A_400] {strides = array<i32>} : memref<6272xf32, #tpu.memory_space<vmem>>, vector<16xf32>,
        tpu.vector_store %arg5[%swap3A_400], %broadcast_in_dim3A_3 {strides = array<i32>} : memref<6272xf32, #tpu.memory_space<vmem>>, vector<16xf32>,
        %swap3A_402 = arith.constant 6064 : index
        %swap3A_403 = tpu.vector_load %arg5[%swap3A_402] {strides = array<i32>} : memref<6272xf32, #tpu.memory_space<vmem>>, vector<16xf32>,
        tpu.vector_store %arg5[%swap3A_402], %broadcast_in_dim3A_3 {strides = array<i32>} : memref<6272xf32, #tpu.memory_space<vmem>>, vector<16xf32>,
        %swap3A_404 = arith.constant 6080 : index
        %swap3A_405 = tpu.vector_load %arg5[%swap3A_404] {strides = array<i32>} : memref<6272xf32, #tpu.memory_space<vmem>>, vector<16xf32>,
        tpu.vector_store %arg5[%swap3A_404], %broadcast_in_dim3A_3 {strides = array<i32>} : memref<6272xf32, #tpu.memory_space<vmem>>, vector<16xf32>,
        %swap3A_406 = arith.constant 6096 : index
        %swap3A_407 = tpu.vector_load %arg5[%swap3A_406] {strides = array<i32>} : memref<6272xf32, #tpu.memory_space<vmem>>, vector<16xf32>,
        tpu.vector_store %arg5[%swap3A_406], %broadcast_in_dim3A_3 {strides = array<i32>} : memref<6272xf32, #tpu.memory_space<vmem>>, vector<16xf32>,
        %swap3A_408 = arith.constant 6112 : index
        %swap3A_409 = tpu.vector_load %arg5[%swap3A_408] {strides = array<i32>} : memref<6272xf32, #tpu.memory_space<vmem>>, vector<16xf32>,
        tpu.vector_store %arg5[%swap3A_408], %broadcast_in_dim3A_3 {strides = array<i32>} : memref<6272xf32, #tpu.memory_space<vmem>>, vector<16xf32>,
        %swap3A_410 = arith.constant 6128 : index
        %swap3A_411 = tpu.vector_load %arg5[%swap3A_410] {strides = array<i32>} : memref<6272xf32, #tpu.memory_space<vmem>>, vector<16xf32>,
        tpu.vector_store %arg5[%swap3A_410], %broadcast_in_dim3A_3 {strides = array<i32>} : memref<6272xf32, #tpu.memory_space<vmem>>, vector<16xf32>,
        %swap3A_412 = arith.constant 6144 : index
        %swap3A_413 = tpu.vector_load %arg5[%swap3A_412] {strides = array<i32>} : memref<6272xf32, #tpu.memory_space<vmem>>, vector<16xf32>,
        tpu.vector_store %arg5[%swap3A_412], %broadcast_in_dim3A_3 {strides = array<i32>} : memref<6272xf32, #tpu.memory_space<vmem>>, vector<16xf32>,
        %swap3A_414 = arith.constant 6160 : index
        %swap3A_415 = tpu.vector_load %arg5[%swap3A_414] {strides = array<i32>} : memref<6272xf32, #tpu.memory_space<vmem>>, vector<16xf32>,
        tpu.vector_store %arg5[%swap3A_414], %broadcast_in_dim3A_3 {strides = array<i32>} : memref<6272xf32, #tpu.memory_space<vmem>>, vector<16xf32>,
        %swap3A_416 = arith.constant 6176 : index
        %swap3A_417 = tpu.vector_load %arg5[%swap3A_416] {strides = array<i32>} : memref<6272xf32, #tpu.memory_space<vmem>>, vector<16xf32>,
        tpu.vector_store %arg5[%swap3A_416], %broadcast_in_dim3A_3 {strides = array<i32>} : memref<6272xf32, #tpu.memory_space<vmem>>, vector<16xf32>,
        %swap3A_418 = arith.constant 6192 : index
        %swap3A_419 = tpu.vector_load %arg5[%swap3A_418] {strides = array<i32>} : memref<6272xf32, #tpu.memory_space<vmem>>, vector<16xf32>,
        tpu.vector_store %arg5[%swap3A_418], %broadcast_in_dim3A_3 {strides = array<i32>} : memref<6272xf32, #tpu.memory_space<vmem>>, vector<16xf32>,
        %swap3A_420 = arith.constant 6208 : index
        %swap3A_421 = tpu.vector_load %arg5[%swap3A_420] {strides = array<i32>} : memref<6272xf32, #tpu.memory_space<vmem>>, vector<16xf32>,
        tpu.vector_store %arg5[%swap3A_420], %broadcast_in_dim3A_3 {strides = array<i32>} : memref<6272xf32, #tpu.memory_space<vmem>>, vector<16xf32>,
        %swap3A_422 = arith.constant 6224 : index
        %swap3A_423 = tpu.vector_load %arg5[%swap3A_422] {strides = array<i32>} : memref<6272xf32, #tpu.memory_space<vmem>>, vector<16xf32>,
        tpu.vector_store %arg5[%swap3A_422], %broadcast_in_dim3A_3 {strides = array<i32>} : memref<6272xf32, #tpu.memory_space<vmem>>, vector<16xf32>,
        %swap3A_424 = arith.constant 6240 : index
        %swap3A_425 = tpu.vector_load %arg5[%swap3A_424] {strides = array<i32>} : memref<6272xf32, #tpu.memory_space<vmem>>, vector<16xf32>,
        tpu.vector_store %arg5[%swap3A_424], %broadcast_in_dim3A_3 {strides = array<i32>} : memref<6272xf32, #tpu.memory_space<vmem>>, vector<16xf32>,
        %swap3A_426 = arith.constant 6256 : index
        %swap3A_427 = tpu.vector_load %arg5[%swap3A_426] {strides = array<i32>} : memref<6272xf32, #tpu.memory_space<vmem>>, vector<16xf32>,
        tpu.vector_store %arg5[%swap3A_426], %broadcast_in_dim3A_3 {strides = array<i32>} : memref<6272xf32, #tpu.memory_space<vmem>>, vector<16xf32>,
      } else {
      }
      "tpu.trace_stop"() : () -> ()
      "tpu.trace_start"() <{level = 10 : i32, message = "hnl_scatter"}> : () -> ()
      %get3A_79 = arith.constant 0 : index
      %get3A_80 = tpu.vector_load %arg6[%get3A_79] {strides = array<i32>} : memref<80xi32, #tpu.memory_space<vmem>>, vector<16xi32>,
      %sub3A = vector.broadcast %mul3A_2 : i32 to vector<16xi32>
      %sub3A_81 = arith.subi %get3A_80, %sub3A : vector<16xi32>
      %ge3A = arith.constant 0 : i32
      %ge3A_82 = vector.broadcast %ge3A : i32 to vector<16xi32>
      %ge3A_83 = arith.cmpi sge, %sub3A_81, %ge3A_82 : vector<16xi32>
      %lt3A = arith.constant 6272 : i32
      %lt3A_84 = vector.broadcast %lt3A : i32 to vector<16xi32>
      %lt3A_85 = arith.cmpi slt, %sub3A_81, %lt3A_84 : vector<16xi32>
      %and3A = arith.andi %ge3A_83, %lt3A_85 : vector<16xi1>
      %max3A = arith.constant 0 : i32
      %max3A_86 = vector.broadcast %max3A : i32 to vector<16xi32>
      %max3A_87 = arith.maxsi %sub3A_81, %max3A_86 : vector<16xi32>
      %min3A = arith.constant 6271 : i32
      %min3A_88 = vector.broadcast %min3A : i32 to vector<16xi32>
      %min3A_89 = arith.minsi %max3A_87, %min3A_88 : vector<16xi32>
      tpu.vector_store_idx %arg5[%min3A_89], %broadcast_in_dim3A_3 masked %and3A : memref<6272xf32, #tpu.memory_space<vmem>>[vector<16xi32>], vector<16xf32>, vector<16xi1>
      %get3A_90 = arith.constant 16 : index
      %get3A_91 = tpu.vector_load %arg6[%get3A_90] {strides = array<i32>} : memref<80xi32, #tpu.memory_space<vmem>>, vector<16xi32>,
      %sub3A_92 = vector.broadcast %mul3A_2 : i32 to vector<16xi32>
      %sub3A_93 = arith.subi %get3A_91, %sub3A_92 : vector<16xi32>
      %ge3A_94 = arith.constant 0 : i32
      %ge3A_95 = vector.broadcast %ge3A_94 : i32 to vector<16xi32>
      %ge3A_96 = arith.cmpi sge, %sub3A_93, %ge3A_95 : vector<16xi32>
      %lt3A_97 = arith.constant 6272 : i32
      %lt3A_98 = vector.broadcast %lt3A_97 : i32 to vector<16xi32>
      %lt3A_99 = arith.cmpi slt, %sub3A_93, %lt3A_98 : vector<16xi32>
      %and3A_100 = arith.andi %ge3A_96, %lt3A_99 : vector<16xi1>
      %max3A_101 = arith.constant 0 : i32
      %max3A_102 = vector.broadcast %max3A_101 : i32 to vector<16xi32>
      %max3A_103 = arith.maxsi %sub3A_93, %max3A_102 : vector<16xi32>
      %min3A_104 = arith.constant 6271 : i32
      %min3A_105 = vector.broadcast %min3A_104 : i32 to vector<16xi32>
      %min3A_106 = arith.minsi %max3A_103, %min3A_105 : vector<16xi32>
      tpu.vector_store_idx %arg5[%min3A_106], %broadcast_in_dim3A_3 masked %and3A_100 : memref<6272xf32, #tpu.memory_space<vmem>>[vector<16xi32>], vector<16xf32>, vector<16xi1>
      %get3A_107 = arith.constant 32 : index
      %get3A_108 = tpu.vector_load %arg6[%get3A_107] {strides = array<i32>} : memref<80xi32, #tpu.memory_space<vmem>>, vector<16xi32>,
      %sub3A_109 = vector.broadcast %mul3A_2 : i32 to vector<16xi32>
      %sub3A_110 = arith.subi %get3A_108, %sub3A_109 : vector<16xi32>
      %ge3A_111 = arith.constant 0 : i32
      %ge3A_112 = vector.broadcast %ge3A_111 : i32 to vector<16xi32>
      %ge3A_113 = arith.cmpi sge, %sub3A_110, %ge3A_112 : vector<16xi32>
      %lt3A_114 = arith.constant 6272 : i32
      %lt3A_115 = vector.broadcast %lt3A_114 : i32 to vector<16xi32>
      %lt3A_116 = arith.cmpi slt, %sub3A_110, %lt3A_115 : vector<16xi32>
      %and3A_117 = arith.andi %ge3A_113, %lt3A_116 : vector<16xi1>
      %max3A_118 = arith.constant 0 : i32
      %max3A_119 = vector.broadcast %max3A_118 : i32 to vector<16xi32>
      %max3A_120 = arith.maxsi %sub3A_110, %max3A_119 : vector<16xi32>
      %min3A_121 = arith.constant 6271 : i32
      %min3A_122 = vector.broadcast %min3A_121 : i32 to vector<16xi32>
      %min3A_123 = arith.minsi %max3A_120, %min3A_122 : vector<16xi32>
      tpu.vector_store_idx %arg5[%min3A_123], %broadcast_in_dim3A_3 masked %and3A_117 : memref<6272xf32, #tpu.memory_space<vmem>>[vector<16xi32>], vector<16xf32>, vector<16xi1>
      %get3A_124 = arith.constant 48 : index
      %get3A_125 = tpu.vector_load %arg6[%get3A_124] {strides = array<i32>} : memref<80xi32, #tpu.memory_space<vmem>>, vector<16xi32>,
      %sub3A_126 = vector.broadcast %mul3A_2 : i32 to vector<16xi32>
      %sub3A_127 = arith.subi %get3A_125, %sub3A_126 : vector<16xi32>
      %ge3A_128 = arith.constant 0 : i32
      %ge3A_129 = vector.broadcast %ge3A_128 : i32 to vector<16xi32>
      %ge3A_130 = arith.cmpi sge, %sub3A_127, %ge3A_129 : vector<16xi32>
      %lt3A_131 = arith.constant 6272 : i32
      %lt3A_132 = vector.broadcast %lt3A_131 : i32 to vector<16xi32>
      %lt3A_133 = arith.cmpi slt, %sub3A_127, %lt3A_132 : vector<16xi32>
      %and3A_134 = arith.andi %ge3A_130, %lt3A_133 : vector<16xi1>
      %max3A_135 = arith.constant 0 : i32
      %max3A_136 = vector.broadcast %max3A_135 : i32 to vector<16xi32>
      %max3A_137 = arith.maxsi %sub3A_127, %max3A_136 : vector<16xi32>
      %min3A_138 = arith.constant 6271 : i32
      %min3A_139 = vector.broadcast %min3A_138 : i32 to vector<16xi32>
      %min3A_140 = arith.minsi %max3A_137, %min3A_139 : vector<16xi32>
      tpu.vector_store_idx %arg5[%min3A_140], %broadcast_in_dim3A_3 masked %and3A_134 : memref<6272xf32, #tpu.memory_space<vmem>>[vector<16xi32>], vector<16xf32>, vector<16xi1>
      %get3A_141 = arith.constant 64 : index
      %get3A_142 = tpu.vector_load %arg6[%get3A_141] {strides = array<i32>} : memref<80xi32, #tpu.memory_space<vmem>>, vector<16xi32>,
      %sub3A_143 = vector.broadcast %mul3A_2 : i32 to vector<16xi32>
      %sub3A_144 = arith.subi %get3A_142, %sub3A_143 : vector<16xi32>
      %ge3A_145 = arith.constant 0 : i32
      %ge3A_146 = vector.broadcast %ge3A_145 : i32 to vector<16xi32>
      %ge3A_147 = arith.cmpi sge, %sub3A_144, %ge3A_146 : vector<16xi32>
      %lt3A_148 = arith.constant 6272 : i32
      %lt3A_149 = vector.broadcast %lt3A_148 : i32 to vector<16xi32>
      %lt3A_150 = arith.cmpi slt, %sub3A_144, %lt3A_149 : vector<16xi32>
      %and3A_151 = arith.andi %ge3A_147, %lt3A_150 : vector<16xi1>
      %max3A_152 = arith.constant 0 : i32
      %max3A_153 = vector.broadcast %max3A_152 : i32 to vector<16xi32>
      %max3A_154 = arith.maxsi %sub3A_144, %max3A_153 : vector<16xi32>
      %min3A_155 = arith.constant 6271 : i32
      %min3A_156 = vector.broadcast %min3A_155 : i32 to vector<16xi32>
      %min3A_157 = arith.minsi %max3A_154, %min3A_156 : vector<16xi32>
      tpu.vector_store_idx %arg5[%min3A_157], %broadcast_in_dim3A_3 masked %and3A_151 : memref<6272xf32, #tpu.memory_space<vmem>>[vector<16xi32>], vector<16xf32>, vector<16xi1>
      "tpu.trace_stop"() : () -> ()
      "tpu.trace_start"() <{level = 10 : i32, message = "hnl_loop"}> : () -> ()
      %scan3A = arith.constant 0 : i32
      %scan3A_158 = arith.constant 98 : i32
      %scan3A_159 = arith.addi %scan3A, %scan3A_158 : i32
      %scan3A_160 = arith.constant 1 : i32
      %scan3A_161:20 = scf.for %scan3A_384 = %scan3A to %scan3A_159 step %scan3A_160 iter_args(%scan3A_385 = %broadcast_in_dim3A_3, %scan3A_386 = %broadcast_in_dim3A_3, %scan3A_387 = %broadcast_in_dim3A_3, %scan3A_388 = %broadcast_in_dim3A_3, %scan3A_389 = %broadcast_in_dim3A_3, %scan3A_390 = %broadcast_in_dim3A_3, %scan3A_391 = %broadcast_in_dim3A_3, %scan3A_392 = %broadcast_in_dim3A_3, %scan3A_393 = %broadcast_in_dim3A_3, %scan3A_394 = %broadcast_in_dim3A_3, %scan3A_395 = %broadcast_in_dim3A_3, %scan3A_396 = %broadcast_in_dim3A_3, %scan3A_397 = %broadcast_in_dim3A_3, %scan3A_398 = %broadcast_in_dim3A_3, %scan3A_399 = %broadcast_in_dim3A_3, %scan3A_400 = %broadcast_in_dim3A_3, %scan3A_401 = %broadcast_in_dim3A_3, %scan3A_402 = %broadcast_in_dim3A_3, %scan3A_403 = %broadcast_in_dim3A_3, %scan3A_404 = %broadcast_in_dim3A_3) -> (vector<16xf32>, vector<16xf32>, vector<16xf32>, vector<16xf32>, vector<16xf32>, vector<16xf32>, vector<16xf32>, vector<16xf32>, vector<16xf32>, vector<16xf32>, vector<16xf32>, vector<16xf32>, vector<16xf32>, vector<16xf32>, vector<16xf32>, vector<16xf32>, vector<16xf32>, vector<16xf32>, vector<16xf32>, vector<16xf32>)  : i32 {
        %mul3A_405 = arith.constant 4 : i32
        %mul3A_406 = arith.muli %scan3A_384, %mul3A_405 : i32
        %add3A_407 = arith.constant 0 : i32
        %add3A_408 = arith.addi %mul3A_406, %add3A_407 : i32
        %mul3A_409 = arith.constant 16 : i32
        %mul3A_410 = arith.muli %add3A_408, %mul3A_409 : i32
        %get3A_411 = arith.index_cast %mul3A_410 : i32 to index
        %get3A_412 = tpu.vector_load %arg5[%get3A_411] {strides = array<i32>} : memref<6272xf32, #tpu.memory_space<vmem>>, vector<16xf32>,
        %max3A_413 = arith.maximumf %scan3A_385, %get3A_412 : vector<16xf32>
        %min3A_414 = arith.minimumf %scan3A_385, %get3A_412 : vector<16xf32>
        %max3A_415 = arith.maximumf %scan3A_386, %min3A_414 : vector<16xf32>
        %min3A_416 = arith.minimumf %scan3A_386, %min3A_414 : vector<16xf32>
        %max3A_417 = arith.maximumf %scan3A_387, %min3A_416 : vector<16xf32>
        %min3A_418 = arith.minimumf %scan3A_387, %min3A_416 : vector<16xf32>
        %max3A_419 = arith.maximumf %scan3A_388, %min3A_418 : vector<16xf32>
        %min3A_420 = arith.minimumf %scan3A_388, %min3A_418 : vector<16xf32>
        %max3A_421 = arith.maximumf %scan3A_389, %min3A_420 : vector<16xf32>
        %min3A_422 = arith.minimumf %scan3A_389, %min3A_420 : vector<16xf32>
        %mul3A_423 = arith.constant 4 : i32
        %mul3A_424 = arith.muli %scan3A_384, %mul3A_423 : i32
        %add3A_425 = arith.constant 1 : i32
        %add3A_426 = arith.addi %mul3A_424, %add3A_425 : i32
        %mul3A_427 = arith.constant 16 : i32
        %mul3A_428 = arith.muli %add3A_426, %mul3A_427 : i32
        %get3A_429 = arith.index_cast %mul3A_428 : i32 to index
        %get3A_430 = tpu.vector_load %arg5[%get3A_429] {strides = array<i32>} : memref<6272xf32, #tpu.memory_space<vmem>>, vector<16xf32>,
        %max3A_431 = arith.maximumf %scan3A_390, %get3A_430 : vector<16xf32>
        %min3A_432 = arith.minimumf %scan3A_390, %get3A_430 : vector<16xf32>
        %max3A_433 = arith.maximumf %scan3A_391, %min3A_432 : vector<16xf32>
        %min3A_434 = arith.minimumf %scan3A_391, %min3A_432 : vector<16xf32>
        %max3A_435 = arith.maximumf %scan3A_392, %min3A_434 : vector<16xf32>
        %min3A_436 = arith.minimumf %scan3A_392, %min3A_434 : vector<16xf32>
        %max3A_437 = arith.maximumf %scan3A_393, %min3A_436 : vector<16xf32>
        %min3A_438 = arith.minimumf %scan3A_393, %min3A_436 : vector<16xf32>
        %max3A_439 = arith.maximumf %scan3A_394, %min3A_438 : vector<16xf32>
        %min3A_440 = arith.minimumf %scan3A_394, %min3A_438 : vector<16xf32>
        %mul3A_441 = arith.constant 4 : i32
        %mul3A_442 = arith.muli %scan3A_384, %mul3A_441 : i32
        %add3A_443 = arith.constant 2 : i32
        %add3A_444 = arith.addi %mul3A_442, %add3A_443 : i32
        %mul3A_445 = arith.constant 16 : i32
        %mul3A_446 = arith.muli %add3A_444, %mul3A_445 : i32
        %get3A_447 = arith.index_cast %mul3A_446 : i32 to index
        %get3A_448 = tpu.vector_load %arg5[%get3A_447] {strides = array<i32>} : memref<6272xf32, #tpu.memory_space<vmem>>, vector<16xf32>,
        %max3A_449 = arith.maximumf %scan3A_395, %get3A_448 : vector<16xf32>
        %min3A_450 = arith.minimumf %scan3A_395, %get3A_448 : vector<16xf32>
        %max3A_451 = arith.maximumf %scan3A_396, %min3A_450 : vector<16xf32>
        %min3A_452 = arith.minimumf %scan3A_396, %min3A_450 : vector<16xf32>
        %max3A_453 = arith.maximumf %scan3A_397, %min3A_452 : vector<16xf32>
        %min3A_454 = arith.minimumf %scan3A_397, %min3A_452 : vector<16xf32>
        %max3A_455 = arith.maximumf %scan3A_398, %min3A_454 : vector<16xf32>
        %min3A_456 = arith.minimumf %scan3A_398, %min3A_454 : vector<16xf32>
        %max3A_457 = arith.maximumf %scan3A_399, %min3A_456 : vector<16xf32>
        %min3A_458 = arith.minimumf %scan3A_399, %min3A_456 : vector<16xf32>
        %mul3A_459 = arith.constant 4 : i32
        %mul3A_460 = arith.muli %scan3A_384, %mul3A_459 : i32
        %add3A_461 = arith.constant 3 : i32
        %add3A_462 = arith.addi %mul3A_460, %add3A_461 : i32
        %mul3A_463 = arith.constant 16 : i32
        %mul3A_464 = arith.muli %add3A_462, %mul3A_463 : i32
        %get3A_465 = arith.index_cast %mul3A_464 : i32 to index
        %get3A_466 = tpu.vector_load %arg5[%get3A_465] {strides = array<i32>} : memref<6272xf32, #tpu.memory_space<vmem>>, vector<16xf32>,
        %max3A_467 = arith.maximumf %scan3A_400, %get3A_466 : vector<16xf32>
        %min3A_468 = arith.minimumf %scan3A_400, %get3A_466 : vector<16xf32>
        %max3A_469 = arith.maximumf %scan3A_401, %min3A_468 : vector<16xf32>
        %min3A_470 = arith.minimumf %scan3A_401, %min3A_468 : vector<16xf32>
        %max3A_471 = arith.maximumf %scan3A_402, %min3A_470 : vector<16xf32>
        %min3A_472 = arith.minimumf %scan3A_402, %min3A_470 : vector<16xf32>
        %max3A_473 = arith.maximumf %scan3A_403, %min3A_472 : vector<16xf32>
        %min3A_474 = arith.minimumf %scan3A_403, %min3A_472 : vector<16xf32>
        %max3A_475 = arith.maximumf %scan3A_404, %min3A_474 : vector<16xf32>
        %min3A_476 = arith.minimumf %scan3A_404, %min3A_474 : vector<16xf32>
        scf.yield %max3A_413, %max3A_415, %max3A_417, %max3A_419, %max3A_421, %max3A_431, %max3A_433, %max3A_435, %max3A_437, %max3A_439, %max3A_449, %max3A_451, %max3A_453, %max3A_455, %max3A_457, %max3A_467, %max3A_469, %max3A_471, %max3A_473, %max3A_475 : vector<16xf32>, vector<16xf32>, vector<16xf32>, vector<16xf32>, vector<16xf32>, vector<16xf32>, vector<16xf32>, vector<16xf32>, vector<16xf32>, vector<16xf32>, vector<16xf32>, vector<16xf32>, vector<16xf32>, vector<16xf32>, vector<16xf32>, vector<16xf32>, vector<16xf32>, vector<16xf32>, vector<16xf32>, vector<16xf32>
      }
      %scan3A_162 = arith.constant 98 : i32
      "tpu.trace_stop"() : () -> ()
      %max3A_163 = arith.maximumf %scan3A_161#0, %scan3A_161#5 : vector<16xf32>
      %min3A_164 = arith.minimumf %scan3A_161#0, %scan3A_161#5 : vector<16xf32>
      %max3A_165 = arith.maximumf %scan3A_161#1, %min3A_164 : vector<16xf32>
      %min3A_166 = arith.minimumf %scan3A_161#1, %min3A_164 : vector<16xf32>
      %max3A_167 = arith.maximumf %scan3A_161#2, %min3A_166 : vector<16xf32>
      %min3A_168 = arith.minimumf %scan3A_161#2, %min3A_166 : vector<16xf32>
      %max3A_169 = arith.maximumf %scan3A_161#3, %min3A_168 : vector<16xf32>
      %min3A_170 = arith.minimumf %scan3A_161#3, %min3A_168 : vector<16xf32>
      %max3A_171 = arith.maximumf %scan3A_161#4, %min3A_170 : vector<16xf32>
      %min3A_172 = arith.minimumf %scan3A_161#4, %min3A_170 : vector<16xf32>
      %max3A_173 = arith.maximumf %max3A_163, %scan3A_161#6 : vector<16xf32>
      %min3A_174 = arith.minimumf %max3A_163, %scan3A_161#6 : vector<16xf32>
      %max3A_175 = arith.maximumf %max3A_165, %min3A_174 : vector<16xf32>
      %min3A_176 = arith.minimumf %max3A_165, %min3A_174 : vector<16xf32>
      %max3A_177 = arith.maximumf %max3A_167, %min3A_176 : vector<16xf32>
      %min3A_178 = arith.minimumf %max3A_167, %min3A_176 : vector<16xf32>
      %max3A_179 = arith.maximumf %max3A_169, %min3A_178 : vector<16xf32>
      %min3A_180 = arith.minimumf %max3A_169, %min3A_178 : vector<16xf32>
      %max3A_181 = arith.maximumf %max3A_171, %min3A_180 : vector<16xf32>
      %min3A_182 = arith.minimumf %max3A_171, %min3A_180 : vector<16xf32>
      %max3A_183 = arith.maximumf %max3A_173, %scan3A_161#7 : vector<16xf32>
      %min3A_184 = arith.minimumf %max3A_173, %scan3A_161#7 : vector<16xf32>
      %max3A_185 = arith.maximumf %max3A_175, %min3A_184 : vector<16xf32>
      %min3A_186 = arith.minimumf %max3A_175, %min3A_184 : vector<16xf32>
      %max3A_187 = arith.maximumf %max3A_177, %min3A_186 : vector<16xf32>
      %min3A_188 = arith.minimumf %max3A_177, %min3A_186 : vector<16xf32>
      %max3A_189 = arith.maximumf %max3A_179, %min3A_188 : vector<16xf32>
      %min3A_190 = arith.minimumf %max3A_179, %min3A_188 : vector<16xf32>
      %max3A_191 = arith.maximumf %max3A_181, %min3A_190 : vector<16xf32>
      %min3A_192 = arith.minimumf %max3A_181, %min3A_190 : vector<16xf32>
      %max3A_193 = arith.maximumf %max3A_183, %scan3A_161#8 : vector<16xf32>
      %min3A_194 = arith.minimumf %max3A_183, %scan3A_161#8 : vector<16xf32>
      %max3A_195 = arith.maximumf %max3A_185, %min3A_194 : vector<16xf32>
      %min3A_196 = arith.minimumf %max3A_185, %min3A_194 : vector<16xf32>
      %max3A_197 = arith.maximumf %max3A_187, %min3A_196 : vector<16xf32>
      %min3A_198 = arith.minimumf %max3A_187, %min3A_196 : vector<16xf32>
      %max3A_199 = arith.maximumf %max3A_189, %min3A_198 : vector<16xf32>
      %min3A_200 = arith.minimumf %max3A_189, %min3A_198 : vector<16xf32>
      %max3A_201 = arith.maximumf %max3A_191, %min3A_200 : vector<16xf32>
      %min3A_202 = arith.minimumf %max3A_191, %min3A_200 : vector<16xf32>
      %max3A_203 = arith.maximumf %max3A_193, %scan3A_161#9 : vector<16xf32>
      %min3A_204 = arith.minimumf %max3A_193, %scan3A_161#9 : vector<16xf32>
      %max3A_205 = arith.maximumf %max3A_195, %min3A_204 : vector<16xf32>
      %min3A_206 = arith.minimumf %max3A_195, %min3A_204 : vector<16xf32>
      %max3A_207 = arith.maximumf %max3A_197, %min3A_206 : vector<16xf32>
      %min3A_208 = arith.minimumf %max3A_197, %min3A_206 : vector<16xf32>
      %max3A_209 = arith.maximumf %max3A_199, %min3A_208 : vector<16xf32>
      %min3A_210 = arith.minimumf %max3A_199, %min3A_208 : vector<16xf32>
      %max3A_211 = arith.maximumf %max3A_201, %min3A_210 : vector<16xf32>
      %min3A_212 = arith.minimumf %max3A_201, %min3A_210 : vector<16xf32>
      %max3A_213 = arith.maximumf %max3A_203, %scan3A_161#10 : vector<16xf32>
      %min3A_214 = arith.minimumf %max3A_203, %scan3A_161#10 : vector<16xf32>
      %max3A_215 = arith.maximumf %max3A_205, %min3A_214 : vector<16xf32>
      %min3A_216 = arith.minimumf %max3A_205, %min3A_214 : vector<16xf32>
      %max3A_217 = arith.maximumf %max3A_207, %min3A_216 : vector<16xf32>
      %min3A_218 = arith.minimumf %max3A_207, %min3A_216 : vector<16xf32>
      %max3A_219 = arith.maximumf %max3A_209, %min3A_218 : vector<16xf32>
      %min3A_220 = arith.minimumf %max3A_209, %min3A_218 : vector<16xf32>
      %max3A_221 = arith.maximumf %max3A_211, %min3A_220 : vector<16xf32>
      %min3A_222 = arith.minimumf %max3A_211, %min3A_220 : vector<16xf32>
      %max3A_223 = arith.maximumf %max3A_213, %scan3A_161#11 : vector<16xf32>
      %min3A_224 = arith.minimumf %max3A_213, %scan3A_161#11 : vector<16xf32>
      %max3A_225 = arith.maximumf %max3A_215, %min3A_224 : vector<16xf32>
      %min3A_226 = arith.minimumf %max3A_215, %min3A_224 : vector<16xf32>
      %max3A_227 = arith.maximumf %max3A_217, %min3A_226 : vector<16xf32>
      %min3A_228 = arith.minimumf %max3A_217, %min3A_226 : vector<16xf32>
      %max3A_229 = arith.maximumf %max3A_219, %min3A_228 : vector<16xf32>
      %min3A_230 = arith.minimumf %max3A_219, %min3A_228 : vector<16xf32>
      %max3A_231 = arith.maximumf %max3A_221, %min3A_230 : vector<16xf32>
      %min3A_232 = arith.minimumf %max3A_221, %min3A_230 : vector<16xf32>
      %max3A_233 = arith.maximumf %max3A_223, %scan3A_161#12 : vector<16xf32>
      %min3A_234 = arith.minimumf %max3A_223, %scan3A_161#12 : vector<16xf32>
      %max3A_235 = arith.maximumf %max3A_225, %min3A_234 : vector<16xf32>
      %min3A_236 = arith.minimumf %max3A_225, %min3A_234 : vector<16xf32>
      %max3A_237 = arith.maximumf %max3A_227, %min3A_236 : vector<16xf32>
      %min3A_238 = arith.minimumf %max3A_227, %min3A_236 : vector<16xf32>
      %max3A_239 = arith.maximumf %max3A_229, %min3A_238 : vector<16xf32>
      %min3A_240 = arith.minimumf %max3A_229, %min3A_238 : vector<16xf32>
      %max3A_241 = arith.maximumf %max3A_231, %min3A_240 : vector<16xf32>
      %min3A_242 = arith.minimumf %max3A_231, %min3A_240 : vector<16xf32>
      %max3A_243 = arith.maximumf %max3A_233, %scan3A_161#13 : vector<16xf32>
      %min3A_244 = arith.minimumf %max3A_233, %scan3A_161#13 : vector<16xf32>
      %max3A_245 = arith.maximumf %max3A_235, %min3A_244 : vector<16xf32>
      %min3A_246 = arith.minimumf %max3A_235, %min3A_244 : vector<16xf32>
      %max3A_247 = arith.maximumf %max3A_237, %min3A_246 : vector<16xf32>
      %min3A_248 = arith.minimumf %max3A_237, %min3A_246 : vector<16xf32>
      %max3A_249 = arith.maximumf %max3A_239, %min3A_248 : vector<16xf32>
      %min3A_250 = arith.minimumf %max3A_239, %min3A_248 : vector<16xf32>
      %max3A_251 = arith.maximumf %max3A_241, %min3A_250 : vector<16xf32>
      %min3A_252 = arith.minimumf %max3A_241, %min3A_250 : vector<16xf32>
      %max3A_253 = arith.maximumf %max3A_243, %scan3A_161#14 : vector<16xf32>
      %min3A_254 = arith.minimumf %max3A_243, %scan3A_161#14 : vector<16xf32>
      %max3A_255 = arith.maximumf %max3A_245, %min3A_254 : vector<16xf32>
      %min3A_256 = arith.minimumf %max3A_245, %min3A_254 : vector<16xf32>
      %max3A_257 = arith.maximumf %max3A_247, %min3A_256 : vector<16xf32>
      %min3A_258 = arith.minimumf %max3A_247, %min3A_256 : vector<16xf32>
      %max3A_259 = arith.maximumf %max3A_249, %min3A_258 : vector<16xf32>
      %min3A_260 = arith.minimumf %max3A_249, %min3A_258 : vector<16xf32>
      %max3A_261 = arith.maximumf %max3A_251, %min3A_260 : vector<16xf32>
      %min3A_262 = arith.minimumf %max3A_251, %min3A_260 : vector<16xf32>
      %max3A_263 = arith.maximumf %max3A_253, %scan3A_161#15 : vector<16xf32>
      %min3A_264 = arith.minimumf %max3A_253, %scan3A_161#15 : vector<16xf32>
      %max3A_265 = arith.maximumf %max3A_255, %min3A_264 : vector<16xf32>
      %min3A_266 = arith.minimumf %max3A_255, %min3A_264 : vector<16xf32>
      %max3A_267 = arith.maximumf %max3A_257, %min3A_266 : vector<16xf32>
      %min3A_268 = arith.minimumf %max3A_257, %min3A_266 : vector<16xf32>
      %max3A_269 = arith.maximumf %max3A_259, %min3A_268 : vector<16xf32>
      %min3A_270 = arith.minimumf %max3A_259, %min3A_268 : vector<16xf32>
      %max3A_271 = arith.maximumf %max3A_261, %min3A_270 : vector<16xf32>
      %min3A_272 = arith.minimumf %max3A_261, %min3A_270 : vector<16xf32>
      %max3A_273 = arith.maximumf %max3A_263, %scan3A_161#16 : vector<16xf32>
      %min3A_274 = arith.minimumf %max3A_263, %scan3A_161#16 : vector<16xf32>
      %max3A_275 = arith.maximumf %max3A_265, %min3A_274 : vector<16xf32>
      %min3A_276 = arith.minimumf %max3A_265, %min3A_274 : vector<16xf32>
      %max3A_277 = arith.maximumf %max3A_267, %min3A_276 : vector<16xf32>
      %min3A_278 = arith.minimumf %max3A_267, %min3A_276 : vector<16xf32>
      %max3A_279 = arith.maximumf %max3A_269, %min3A_278 : vector<16xf32>
      %min3A_280 = arith.minimumf %max3A_269, %min3A_278 : vector<16xf32>
      %max3A_281 = arith.maximumf %max3A_271, %min3A_280 : vector<16xf32>
      %min3A_282 = arith.minimumf %max3A_271, %min3A_280 : vector<16xf32>
      %max3A_283 = arith.maximumf %max3A_273, %scan3A_161#17 : vector<16xf32>
      %min3A_284 = arith.minimumf %max3A_273, %scan3A_161#17 : vector<16xf32>
      %max3A_285 = arith.maximumf %max3A_275, %min3A_284 : vector<16xf32>
      %min3A_286 = arith.minimumf %max3A_275, %min3A_284 : vector<16xf32>
      %max3A_287 = arith.maximumf %max3A_277, %min3A_286 : vector<16xf32>
      %min3A_288 = arith.minimumf %max3A_277, %min3A_286 : vector<16xf32>
      %max3A_289 = arith.maximumf %max3A_279, %min3A_288 : vector<16xf32>
      %min3A_290 = arith.minimumf %max3A_279, %min3A_288 : vector<16xf32>
      %max3A_291 = arith.maximumf %max3A_281, %min3A_290 : vector<16xf32>
      %min3A_292 = arith.minimumf %max3A_281, %min3A_290 : vector<16xf32>
      %max3A_293 = arith.maximumf %max3A_283, %scan3A_161#18 : vector<16xf32>
      %min3A_294 = arith.minimumf %max3A_283, %scan3A_161#18 : vector<16xf32>
      %max3A_295 = arith.maximumf %max3A_285, %min3A_294 : vector<16xf32>
      %min3A_296 = arith.minimumf %max3A_285, %min3A_294 : vector<16xf32>
      %max3A_297 = arith.maximumf %max3A_287, %min3A_296 : vector<16xf32>
      %min3A_298 = arith.minimumf %max3A_287, %min3A_296 : vector<16xf32>
      %max3A_299 = arith.maximumf %max3A_289, %min3A_298 : vector<16xf32>
      %min3A_300 = arith.minimumf %max3A_289, %min3A_298 : vector<16xf32>
      %max3A_301 = arith.maximumf %max3A_291, %min3A_300 : vector<16xf32>
      %min3A_302 = arith.minimumf %max3A_291, %min3A_300 : vector<16xf32>
      %max3A_303 = arith.maximumf %max3A_293, %scan3A_161#19 : vector<16xf32>
      %min3A_304 = arith.minimumf %max3A_293, %scan3A_161#19 : vector<16xf32>
      %max3A_305 = arith.maximumf %max3A_295, %min3A_304 : vector<16xf32>
      %min3A_306 = arith.minimumf %max3A_295, %min3A_304 : vector<16xf32>
      %max3A_307 = arith.maximumf %max3A_297, %min3A_306 : vector<16xf32>
      %min3A_308 = arith.minimumf %max3A_297, %min3A_306 : vector<16xf32>
      %max3A_309 = arith.maximumf %max3A_299, %min3A_308 : vector<16xf32>
      %min3A_310 = arith.minimumf %max3A_299, %min3A_308 : vector<16xf32>
      %max3A_311 = arith.maximumf %max3A_301, %min3A_310 : vector<16xf32>
      %min3A_312 = arith.minimumf %max3A_301, %min3A_310 : vector<16xf32>
      %masked_sort3A = arith.constant dense<true> : vector<16xi1>
      %masked_sort3A_313, %masked_sort3A_314, %masked_sort3A_315 = tpu.sort %max3A_303, %max3A_303 masked %masked_sort3A {descending = true} : (vector<16xf32>, vector<16xf32>, vector<16xi1>) -> (vector<16xi1>, vector<16xf32>, vector<16xf32>)
      %masked_sort3A_316 = arith.constant dense<true> : vector<16xi1>
      %masked_sort3A_317, %masked_sort3A_318, %masked_sort3A_319 = tpu.sort %max3A_305, %max3A_305 masked %masked_sort3A_316 {descending = true} : (vector<16xf32>, vector<16xf32>, vector<16xi1>) -> (vector<16xi1>, vector<16xf32>, vector<16xf32>)
      %rev3A = arith.constant 15 : i32
      %rev3A_320 = vector.broadcast %rev3A : i32 to vector<16xi32>
      %rev3A_321 = tpu.iota {dimensions = array<i32: 0>} : vector<16xi32>
      %rev3A_322 = arith.subi %rev3A_320, %rev3A_321 : vector<16xi32>
      %rev3A_323 = tpu.dynamic_gather %masked_sort3A_318[%rev3A_322] in [0] : vector<16xf32>, vector<16xi32> -> vector<16xf32>
      %max3A_324 = arith.maximumf %masked_sort3A_314, %rev3A_323 : vector<16xf32>
      %masked_sort3A_325 = arith.constant dense<true> : vector<16xi1>
      %masked_sort3A_326, %masked_sort3A_327, %masked_sort3A_328 = tpu.sort %max3A_324, %max3A_324 masked %masked_sort3A_325 {descending = true} : (vector<16xf32>, vector<16xf32>, vector<16xi1>) -> (vector<16xi1>, vector<16xf32>, vector<16xf32>)
      %masked_sort3A_329 = arith.constant dense<true> : vector<16xi1>
      %masked_sort3A_330, %masked_sort3A_331, %masked_sort3A_332 = tpu.sort %max3A_307, %max3A_307 masked %masked_sort3A_329 {descending = true} : (vector<16xf32>, vector<16xf32>, vector<16xi1>) -> (vector<16xi1>, vector<16xf32>, vector<16xf32>)
      %rev3A_333 = arith.constant 15 : i32
      %rev3A_334 = vector.broadcast %rev3A_333 : i32 to vector<16xi32>
      %rev3A_335 = tpu.iota {dimensions = array<i32: 0>} : vector<16xi32>
      %rev3A_336 = arith.subi %rev3A_334, %rev3A_335 : vector<16xi32>
      %rev3A_337 = tpu.dynamic_gather %masked_sort3A_331[%rev3A_336] in [0] : vector<16xf32>, vector<16xi32> -> vector<16xf32>
      %max3A_338 = arith.maximumf %masked_sort3A_327, %rev3A_337 : vector<16xf32>
      %masked_sort3A_339 = arith.constant dense<true> : vector<16xi1>
      %masked_sort3A_340, %masked_sort3A_341, %masked_sort3A_342 = tpu.sort %max3A_338, %max3A_338 masked %masked_sort3A_339 {descending = true} : (vector<16xf32>, vector<16xf32>, vector<16xi1>) -> (vector<16xi1>, vector<16xf32>, vector<16xf32>)
      %masked_sort3A_343 = arith.constant dense<true> : vector<16xi1>
      %masked_sort3A_344, %masked_sort3A_345, %masked_sort3A_346 = tpu.sort %max3A_309, %max3A_309 masked %masked_sort3A_343 {descending = true} : (vector<16xf32>, vector<16xf32>, vector<16xi1>) -> (vector<16xi1>, vector<16xf32>, vector<16xf32>)
      %rev3A_347 = arith.constant 15 : i32
      %rev3A_348 = vector.broadcast %rev3A_347 : i32 to vector<16xi32>
      %rev3A_349 = tpu.iota {dimensions = array<i32: 0>} : vector<16xi32>
      %rev3A_350 = arith.subi %rev3A_348, %rev3A_349 : vector<16xi32>
      %rev3A_351 = tpu.dynamic_gather %masked_sort3A_345[%rev3A_350] in [0] : vector<16xf32>, vector<16xi32> -> vector<16xf32>
      %max3A_352 = arith.maximumf %masked_sort3A_341, %rev3A_351 : vector<16xf32>
      %masked_sort3A_353 = arith.constant dense<true> : vector<16xi1>
      %masked_sort3A_354, %masked_sort3A_355, %masked_sort3A_356 = tpu.sort %max3A_352, %max3A_352 masked %masked_sort3A_353 {descending = true} : (vector<16xf32>, vector<16xf32>, vector<16xi1>) -> (vector<16xi1>, vector<16xf32>, vector<16xf32>)
      %masked_sort3A_357 = arith.constant dense<true> : vector<16xi1>
      %masked_sort3A_358, %masked_sort3A_359, %masked_sort3A_360 = tpu.sort %max3A_311, %max3A_311 masked %masked_sort3A_357 {descending = true} : (vector<16xf32>, vector<16xf32>, vector<16xi1>) -> (vector<16xi1>, vector<16xf32>, vector<16xf32>)
      %rev3A_361 = arith.constant 15 : i32
      %rev3A_362 = vector.broadcast %rev3A_361 : i32 to vector<16xi32>
      %rev3A_363 = tpu.iota {dimensions = array<i32: 0>} : vector<16xi32>
      %rev3A_364 = arith.subi %rev3A_362, %rev3A_363 : vector<16xi32>
      %rev3A_365 = tpu.dynamic_gather %masked_sort3A_359[%rev3A_364] in [0] : vector<16xf32>, vector<16xi32> -> vector<16xf32>
      %max3A_366 = arith.maximumf %masked_sort3A_355, %rev3A_365 : vector<16xf32>
      %masked_sort3A_367 = arith.constant dense<true> : vector<16xi1>
      %masked_sort3A_368, %masked_sort3A_369, %masked_sort3A_370 = tpu.sort %max3A_366, %max3A_366 masked %masked_sort3A_367 {descending = true} : (vector<16xf32>, vector<16xf32>, vector<16xi1>) -> (vector<16xi1>, vector<16xf32>, vector<16xf32>)
      %eq3A_371 = arith.constant 0 : i32
      %eq3A_372 = arith.cmpi eq, %arg1, %eq3A_371 : i32
      %convert_element_type3A_373 = arith.extui %eq3A_372 : i1 to i32
      %cond3A_374 = arith.constant 0 : i32
      %cond3A_375 = arith.cmpi ne, %convert_element_type3A_373, %cond3A_374 : i32
      scf.if %cond3A_375 {
        %swap3A_384 = arith.constant 0 : index
        %swap3A_385 = tpu.vector_load %arg7[%swap3A_384] {strides = array<i32>} : memref<16xi32, #tpu.memory_space<vmem>>, vector<16xi32>,
        tpu.vector_store %arg7[%swap3A_384], %get3A_44 {strides = array<i32>} : memref<16xi32, #tpu.memory_space<vmem>>, vector<16xi32>,
        %dma_start3A_386 = arith.constant 0 : i32
        %dma_start3A_387 = tpu.memref_slice %arg2[%dma_start3A_386] : memref<100000xf32, #tpu.memory_space<hbm>> -> memref<100000xf32, #tpu.memory_space<hbm>>
        tpu.enqueue_indirect_dma source(%dma_start3A_387 : memref<100000xf32, #tpu.memory_space<hbm>>) target(%arg8 : memref<16xf32, #tpu.memory_space<vmem>>) offsets(%arg7 : memref<16xi32, #tpu.memory_space<vmem>>) semaphore(%arg13 : memref<!tpu.dma_semaphore, #tpu.memory_space<semaphore_mem>>)
        %dma_wait3A_388 = arith.constant 0 : i32
        %dma_wait3A_389 = tpu.memref_slice %arg2[%dma_wait3A_388] : memref<100000xf32, #tpu.memory_space<hbm>> -> memref<100000xf32, #tpu.memory_space<hbm>>
        tpu.wait_indirect_dma semaphore(%arg13 : memref<!tpu.dma_semaphore, #tpu.memory_space<semaphore_mem>>) src(%dma_wait3A_389 : memref<100000xf32, #tpu.memory_space<hbm>>) dst(%arg8 : memref<16xf32, #tpu.memory_space<vmem>>)
      } else {
      }
      "tpu.trace_start"() <{level = 10 : i32, message = "hnl_pub"}> : () -> ()
      %swap3A = arith.constant 0 : index
      %swap3A_376 = tpu.vector_load %arg9[%swap3A] {strides = array<i32>} : memref<16xf32, #tpu.memory_space<vmem>>, vector<16xf32>,
      tpu.vector_store %arg9[%swap3A], %masked_sort3A_369 {strides = array<i32>} : memref<16xf32, #tpu.memory_space<vmem>>, vector<16xf32>,
      %mul3A_377 = arith.constant 16 : i32
      %mul3A_378 = arith.muli %arg1, %mul3A_377 : i32
      "tpu.region"() ({
        %run_scoped3A = tpu.sem_alloc : memref<!tpu.dma_semaphore, #tpu.memory_space<semaphore_mem>>
        %dma_start3A_384 = tpu.memref_slice %arg12[%mul3A_378] : memref<256xf32, #tpu.memory_space<vmem_shared>> -> memref<16xf32, #tpu.memory_space<vmem_shared>>
        %dma_start3A_385 = tpu.memref_slice %arg12[%mul3A_378] : memref<256xf32, #tpu.memory_space<vmem_shared>> -> memref<16xf32, #tpu.memory_space<vmem_shared>>
        tpu.enqueue_dma source(%arg9 : memref<16xf32, #tpu.memory_space<vmem>>) target(%dma_start3A_385 : memref<16xf32, #tpu.memory_space<vmem_shared>>) target_semaphore(%run_scoped3A : memref<!tpu.dma_semaphore, #tpu.memory_space<semaphore_mem>>)
        %dma_wait3A_386 = tpu.memref_slice %arg12[%mul3A_378] : memref<256xf32, #tpu.memory_space<vmem_shared>> -> memref<16xf32, #tpu.memory_space<vmem_shared>>
        %dma_wait3A_387 = tpu.memref_slice %arg12[%mul3A_378] : memref<256xf32, #tpu.memory_space<vmem_shared>> -> memref<16xf32, #tpu.memory_space<vmem_shared>>
        tpu.wait_dma2 semaphore(%run_scoped3A : memref<!tpu.dma_semaphore, #tpu.memory_space<semaphore_mem>>) src(%arg9 : memref<16xf32, #tpu.memory_space<vmem>>) dst(%dma_wait3A_387 : memref<16xf32, #tpu.memory_space<vmem_shared>>)
        tpu.yield
      }) : () -> ()
      %barrier3A = arith.constant 0 : index
      tpu.barrier barrier_id(%barrier3A)
      %eq3A_379 = arith.constant 0 : i32
      "tpu.trace_stop"() : () -> ()
      %eq3A_380 = arith.cmpi eq, %arg1, %eq3A_379 : i32
      %convert_element_type3A_381 = arith.extui %eq3A_380 : i1 to i32
      %cond3A_382 = arith.constant 0 : i32
      %cond3A_383 = arith.cmpi ne, %convert_element_type3A_381, %cond3A_382 : i32
      scf.if %cond3A_383 {
        "tpu.trace_start"() <{level = 10 : i32, message = "hnl_merge"}> : () -> ()
        "tpu.region"() ({
          %run_scoped3A = tpu.sem_alloc : memref<!tpu.dma_semaphore, #tpu.memory_space<semaphore_mem>>
          tpu.enqueue_dma source(%arg12 : memref<256xf32, #tpu.memory_space<vmem_shared>>) target(%arg10 : memref<256xf32, #tpu.memory_space<vmem>>) target_semaphore(%run_scoped3A : memref<!tpu.dma_semaphore, #tpu.memory_space<semaphore_mem>>)
          tpu.wait_dma2 semaphore(%run_scoped3A : memref<!tpu.dma_semaphore, #tpu.memory_space<semaphore_mem>>) src(%arg12 : memref<256xf32, #tpu.memory_space<vmem_shared>>) dst(%arg10 : memref<256xf32, #tpu.memory_space<vmem>>)
          tpu.yield
        }) : () -> ()
        %get3A_384 = arith.constant 0 : index
        %get3A_385 = tpu.vector_load %arg10[%get3A_384] {strides = array<i32>} : memref<256xf32, #tpu.memory_space<vmem>>, vector<16xf32>,
        %get3A_386 = arith.constant 16 : index
        %get3A_387 = tpu.vector_load %arg10[%get3A_386] {strides = array<i32>} : memref<256xf32, #tpu.memory_space<vmem>>, vector<16xf32>,
        %rev3A_388 = arith.constant 15 : i32
        %rev3A_389 = vector.broadcast %rev3A_388 : i32 to vector<16xi32>
        %rev3A_390 = tpu.iota {dimensions = array<i32: 0>} : vector<16xi32>
        %rev3A_391 = arith.subi %rev3A_389, %rev3A_390 : vector<16xi32>
        %rev3A_392 = tpu.dynamic_gather %get3A_387[%rev3A_391] in [0] : vector<16xf32>, vector<16xi32> -> vector<16xf32>
        %max3A_393 = arith.maximumf %get3A_385, %rev3A_392 : vector<16xf32>
        %masked_sort3A_394 = arith.constant dense<true> : vector<16xi1>
        %masked_sort3A_395, %masked_sort3A_396, %masked_sort3A_397 = tpu.sort %max3A_393, %max3A_393 masked %masked_sort3A_394 {descending = true} : (vector<16xf32>, vector<16xf32>, vector<16xi1>) -> (vector<16xi1>, vector<16xf32>, vector<16xf32>)
        %get3A_398 = arith.constant 32 : index
        %get3A_399 = tpu.vector_load %arg10[%get3A_398] {strides = array<i32>} : memref<256xf32, #tpu.memory_space<vmem>>, vector<16xf32>,
        %rev3A_400 = arith.constant 15 : i32
        %rev3A_401 = vector.broadcast %rev3A_400 : i32 to vector<16xi32>
        %rev3A_402 = tpu.iota {dimensions = array<i32: 0>} : vector<16xi32>
        %rev3A_403 = arith.subi %rev3A_401, %rev3A_402 : vector<16xi32>
        %rev3A_404 = tpu.dynamic_gather %get3A_399[%rev3A_403] in [0] : vector<16xf32>, vector<16xi32> -> vector<16xf32>
        %max3A_405 = arith.maximumf %masked_sort3A_396, %rev3A_404 : vector<16xf32>
        %masked_sort3A_406 = arith.constant dense<true> : vector<16xi1>
        %masked_sort3A_407, %masked_sort3A_408, %masked_sort3A_409 = tpu.sort %max3A_405, %max3A_405 masked %masked_sort3A_406 {descending = true} : (vector<16xf32>, vector<16xf32>, vector<16xi1>) -> (vector<16xi1>, vector<16xf32>, vector<16xf32>)
        %get3A_410 = arith.constant 48 : index
        %get3A_411 = tpu.vector_load %arg10[%get3A_410] {strides = array<i32>} : memref<256xf32, #tpu.memory_space<vmem>>, vector<16xf32>,
        %rev3A_412 = arith.constant 15 : i32
        %rev3A_413 = vector.broadcast %rev3A_412 : i32 to vector<16xi32>
        %rev3A_414 = tpu.iota {dimensions = array<i32: 0>} : vector<16xi32>
        %rev3A_415 = arith.subi %rev3A_413, %rev3A_414 : vector<16xi32>
        %rev3A_416 = tpu.dynamic_gather %get3A_411[%rev3A_415] in [0] : vector<16xf32>, vector<16xi32> -> vector<16xf32>
        %max3A_417 = arith.maximumf %masked_sort3A_408, %rev3A_416 : vector<16xf32>
        %masked_sort3A_418 = arith.constant dense<true> : vector<16xi1>
        %masked_sort3A_419, %masked_sort3A_420, %masked_sort3A_421 = tpu.sort %max3A_417, %max3A_417 masked %masked_sort3A_418 {descending = true} : (vector<16xf32>, vector<16xf32>, vector<16xi1>) -> (vector<16xi1>, vector<16xf32>, vector<16xf32>)
        %get3A_422 = arith.constant 64 : index
        %get3A_423 = tpu.vector_load %arg10[%get3A_422] {strides = array<i32>} : memref<256xf32, #tpu.memory_space<vmem>>, vector<16xf32>,
        %rev3A_424 = arith.constant 15 : i32
        %rev3A_425 = vector.broadcast %rev3A_424 : i32 to vector<16xi32>
        %rev3A_426 = tpu.iota {dimensions = array<i32: 0>} : vector<16xi32>
        %rev3A_427 = arith.subi %rev3A_425, %rev3A_426 : vector<16xi32>
        %rev3A_428 = tpu.dynamic_gather %get3A_423[%rev3A_427] in [0] : vector<16xf32>, vector<16xi32> -> vector<16xf32>
        %max3A_429 = arith.maximumf %masked_sort3A_420, %rev3A_428 : vector<16xf32>
        %masked_sort3A_430 = arith.constant dense<true> : vector<16xi1>
        %masked_sort3A_431, %masked_sort3A_432, %masked_sort3A_433 = tpu.sort %max3A_429, %max3A_429 masked %masked_sort3A_430 {descending = true} : (vector<16xf32>, vector<16xf32>, vector<16xi1>) -> (vector<16xi1>, vector<16xf32>, vector<16xf32>)
        %get3A_434 = arith.constant 80 : index
        %get3A_435 = tpu.vector_load %arg10[%get3A_434] {strides = array<i32>} : memref<256xf32, #tpu.memory_space<vmem>>, vector<16xf32>,
        %rev3A_436 = arith.constant 15 : i32
        %rev3A_437 = vector.broadcast %rev3A_436 : i32 to vector<16xi32>
        %rev3A_438 = tpu.iota {dimensions = array<i32: 0>} : vector<16xi32>
        %rev3A_439 = arith.subi %rev3A_437, %rev3A_438 : vector<16xi32>
        %rev3A_440 = tpu.dynamic_gather %get3A_435[%rev3A_439] in [0] : vector<16xf32>, vector<16xi32> -> vector<16xf32>
        %max3A_441 = arith.maximumf %masked_sort3A_432, %rev3A_440 : vector<16xf32>
        %masked_sort3A_442 = arith.constant dense<true> : vector<16xi1>
        %masked_sort3A_443, %masked_sort3A_444, %masked_sort3A_445 = tpu.sort %max3A_441, %max3A_441 masked %masked_sort3A_442 {descending = true} : (vector<16xf32>, vector<16xf32>, vector<16xi1>) -> (vector<16xi1>, vector<16xf32>, vector<16xf32>)
        %get3A_446 = arith.constant 96 : index
        %get3A_447 = tpu.vector_load %arg10[%get3A_446] {strides = array<i32>} : memref<256xf32, #tpu.memory_space<vmem>>, vector<16xf32>,
        %rev3A_448 = arith.constant 15 : i32
        %rev3A_449 = vector.broadcast %rev3A_448 : i32 to vector<16xi32>
        %rev3A_450 = tpu.iota {dimensions = array<i32: 0>} : vector<16xi32>
        %rev3A_451 = arith.subi %rev3A_449, %rev3A_450 : vector<16xi32>
        %rev3A_452 = tpu.dynamic_gather %get3A_447[%rev3A_451] in [0] : vector<16xf32>, vector<16xi32> -> vector<16xf32>
        %max3A_453 = arith.maximumf %masked_sort3A_444, %rev3A_452 : vector<16xf32>
        %masked_sort3A_454 = arith.constant dense<true> : vector<16xi1>
        %masked_sort3A_455, %masked_sort3A_456, %masked_sort3A_457 = tpu.sort %max3A_453, %max3A_453 masked %masked_sort3A_454 {descending = true} : (vector<16xf32>, vector<16xf32>, vector<16xi1>) -> (vector<16xi1>, vector<16xf32>, vector<16xf32>)
        %get3A_458 = arith.constant 112 : index
        %get3A_459 = tpu.vector_load %arg10[%get3A_458] {strides = array<i32>} : memref<256xf32, #tpu.memory_space<vmem>>, vector<16xf32>,
        %rev3A_460 = arith.constant 15 : i32
        %rev3A_461 = vector.broadcast %rev3A_460 : i32 to vector<16xi32>
        %rev3A_462 = tpu.iota {dimensions = array<i32: 0>} : vector<16xi32>
        %rev3A_463 = arith.subi %rev3A_461, %rev3A_462 : vector<16xi32>
        %rev3A_464 = tpu.dynamic_gather %get3A_459[%rev3A_463] in [0] : vector<16xf32>, vector<16xi32> -> vector<16xf32>
        %max3A_465 = arith.maximumf %masked_sort3A_456, %rev3A_464 : vector<16xf32>
        %masked_sort3A_466 = arith.constant dense<true> : vector<16xi1>
        %masked_sort3A_467, %masked_sort3A_468, %masked_sort3A_469 = tpu.sort %max3A_465, %max3A_465 masked %masked_sort3A_466 {descending = true} : (vector<16xf32>, vector<16xf32>, vector<16xi1>) -> (vector<16xi1>, vector<16xf32>, vector<16xf32>)
        %get3A_470 = arith.constant 128 : index
        %get3A_471 = tpu.vector_load %arg10[%get3A_470] {strides = array<i32>} : memref<256xf32, #tpu.memory_space<vmem>>, vector<16xf32>,
        %rev3A_472 = arith.constant 15 : i32
        %rev3A_473 = vector.broadcast %rev3A_472 : i32 to vector<16xi32>
        %rev3A_474 = tpu.iota {dimensions = array<i32: 0>} : vector<16xi32>
        %rev3A_475 = arith.subi %rev3A_473, %rev3A_474 : vector<16xi32>
        %rev3A_476 = tpu.dynamic_gather %get3A_471[%rev3A_475] in [0] : vector<16xf32>, vector<16xi32> -> vector<16xf32>
        %max3A_477 = arith.maximumf %masked_sort3A_468, %rev3A_476 : vector<16xf32>
        %masked_sort3A_478 = arith.constant dense<true> : vector<16xi1>
        %masked_sort3A_479, %masked_sort3A_480, %masked_sort3A_481 = tpu.sort %max3A_477, %max3A_477 masked %masked_sort3A_478 {descending = true} : (vector<16xf32>, vector<16xf32>, vector<16xi1>) -> (vector<16xi1>, vector<16xf32>, vector<16xf32>)
        %get3A_482 = arith.constant 144 : index
        %get3A_483 = tpu.vector_load %arg10[%get3A_482] {strides = array<i32>} : memref<256xf32, #tpu.memory_space<vmem>>, vector<16xf32>,
        %rev3A_484 = arith.constant 15 : i32
        %rev3A_485 = vector.broadcast %rev3A_484 : i32 to vector<16xi32>
        %rev3A_486 = tpu.iota {dimensions = array<i32: 0>} : vector<16xi32>
        %rev3A_487 = arith.subi %rev3A_485, %rev3A_486 : vector<16xi32>
        %rev3A_488 = tpu.dynamic_gather %get3A_483[%rev3A_487] in [0] : vector<16xf32>, vector<16xi32> -> vector<16xf32>
        %max3A_489 = arith.maximumf %masked_sort3A_480, %rev3A_488 : vector<16xf32>
        %masked_sort3A_490 = arith.constant dense<true> : vector<16xi1>
        %masked_sort3A_491, %masked_sort3A_492, %masked_sort3A_493 = tpu.sort %max3A_489, %max3A_489 masked %masked_sort3A_490 {descending = true} : (vector<16xf32>, vector<16xf32>, vector<16xi1>) -> (vector<16xi1>, vector<16xf32>, vector<16xf32>)
        %get3A_494 = arith.constant 160 : index
        %get3A_495 = tpu.vector_load %arg10[%get3A_494] {strides = array<i32>} : memref<256xf32, #tpu.memory_space<vmem>>, vector<16xf32>,
        %rev3A_496 = arith.constant 15 : i32
        %rev3A_497 = vector.broadcast %rev3A_496 : i32 to vector<16xi32>
        %rev3A_498 = tpu.iota {dimensions = array<i32: 0>} : vector<16xi32>
        %rev3A_499 = arith.subi %rev3A_497, %rev3A_498 : vector<16xi32>
        %rev3A_500 = tpu.dynamic_gather %get3A_495[%rev3A_499] in [0] : vector<16xf32>, vector<16xi32> -> vector<16xf32>
        %max3A_501 = arith.maximumf %masked_sort3A_492, %rev3A_500 : vector<16xf32>
        %masked_sort3A_502 = arith.constant dense<true> : vector<16xi1>
        %masked_sort3A_503, %masked_sort3A_504, %masked_sort3A_505 = tpu.sort %max3A_501, %max3A_501 masked %masked_sort3A_502 {descending = true} : (vector<16xf32>, vector<16xf32>, vector<16xi1>) -> (vector<16xi1>, vector<16xf32>, vector<16xf32>)
        %get3A_506 = arith.constant 176 : index
        %get3A_507 = tpu.vector_load %arg10[%get3A_506] {strides = array<i32>} : memref<256xf32, #tpu.memory_space<vmem>>, vector<16xf32>,
        %rev3A_508 = arith.constant 15 : i32
        %rev3A_509 = vector.broadcast %rev3A_508 : i32 to vector<16xi32>
        %rev3A_510 = tpu.iota {dimensions = array<i32: 0>} : vector<16xi32>
        %rev3A_511 = arith.subi %rev3A_509, %rev3A_510 : vector<16xi32>
        %rev3A_512 = tpu.dynamic_gather %get3A_507[%rev3A_511] in [0] : vector<16xf32>, vector<16xi32> -> vector<16xf32>
        %max3A_513 = arith.maximumf %masked_sort3A_504, %rev3A_512 : vector<16xf32>
        %masked_sort3A_514 = arith.constant dense<true> : vector<16xi1>
        %masked_sort3A_515, %masked_sort3A_516, %masked_sort3A_517 = tpu.sort %max3A_513, %max3A_513 masked %masked_sort3A_514 {descending = true} : (vector<16xf32>, vector<16xf32>, vector<16xi1>) -> (vector<16xi1>, vector<16xf32>, vector<16xf32>)
        %get3A_518 = arith.constant 192 : index
        %get3A_519 = tpu.vector_load %arg10[%get3A_518] {strides = array<i32>} : memref<256xf32, #tpu.memory_space<vmem>>, vector<16xf32>,
        %rev3A_520 = arith.constant 15 : i32
        %rev3A_521 = vector.broadcast %rev3A_520 : i32 to vector<16xi32>
        %rev3A_522 = tpu.iota {dimensions = array<i32: 0>} : vector<16xi32>
        %rev3A_523 = arith.subi %rev3A_521, %rev3A_522 : vector<16xi32>
        %rev3A_524 = tpu.dynamic_gather %get3A_519[%rev3A_523] in [0] : vector<16xf32>, vector<16xi32> -> vector<16xf32>
        %max3A_525 = arith.maximumf %masked_sort3A_516, %rev3A_524 : vector<16xf32>
        %masked_sort3A_526 = arith.constant dense<true> : vector<16xi1>
        %masked_sort3A_527, %masked_sort3A_528, %masked_sort3A_529 = tpu.sort %max3A_525, %max3A_525 masked %masked_sort3A_526 {descending = true} : (vector<16xf32>, vector<16xf32>, vector<16xi1>) -> (vector<16xi1>, vector<16xf32>, vector<16xf32>)
        %get3A_530 = arith.constant 208 : index
        %get3A_531 = tpu.vector_load %arg10[%get3A_530] {strides = array<i32>} : memref<256xf32, #tpu.memory_space<vmem>>, vector<16xf32>,
        %rev3A_532 = arith.constant 15 : i32
        %rev3A_533 = vector.broadcast %rev3A_532 : i32 to vector<16xi32>
        %rev3A_534 = tpu.iota {dimensions = array<i32: 0>} : vector<16xi32>
        %rev3A_535 = arith.subi %rev3A_533, %rev3A_534 : vector<16xi32>
        %rev3A_536 = tpu.dynamic_gather %get3A_531[%rev3A_535] in [0] : vector<16xf32>, vector<16xi32> -> vector<16xf32>
        %max3A_537 = arith.maximumf %masked_sort3A_528, %rev3A_536 : vector<16xf32>
        %masked_sort3A_538 = arith.constant dense<true> : vector<16xi1>
        %masked_sort3A_539, %masked_sort3A_540, %masked_sort3A_541 = tpu.sort %max3A_537, %max3A_537 masked %masked_sort3A_538 {descending = true} : (vector<16xf32>, vector<16xf32>, vector<16xi1>) -> (vector<16xi1>, vector<16xf32>, vector<16xf32>)
        %get3A_542 = arith.constant 224 : index
        %get3A_543 = tpu.vector_load %arg10[%get3A_542] {strides = array<i32>} : memref<256xf32, #tpu.memory_space<vmem>>, vector<16xf32>,
        %rev3A_544 = arith.constant 15 : i32
        %rev3A_545 = vector.broadcast %rev3A_544 : i32 to vector<16xi32>
        %rev3A_546 = tpu.iota {dimensions = array<i32: 0>} : vector<16xi32>
        %rev3A_547 = arith.subi %rev3A_545, %rev3A_546 : vector<16xi32>
        %rev3A_548 = tpu.dynamic_gather %get3A_543[%rev3A_547] in [0] : vector<16xf32>, vector<16xi32> -> vector<16xf32>
        %max3A_549 = arith.maximumf %masked_sort3A_540, %rev3A_548 : vector<16xf32>
        %masked_sort3A_550 = arith.constant dense<true> : vector<16xi1>
        %masked_sort3A_551, %masked_sort3A_552, %masked_sort3A_553 = tpu.sort %max3A_549, %max3A_549 masked %masked_sort3A_550 {descending = true} : (vector<16xf32>, vector<16xf32>, vector<16xi1>) -> (vector<16xi1>, vector<16xf32>, vector<16xf32>)
        %get3A_554 = arith.constant 240 : index
        %get3A_555 = tpu.vector_load %arg10[%get3A_554] {strides = array<i32>} : memref<256xf32, #tpu.memory_space<vmem>>, vector<16xf32>,
        %rev3A_556 = arith.constant 15 : i32
        %rev3A_557 = vector.broadcast %rev3A_556 : i32 to vector<16xi32>
        %rev3A_558 = tpu.iota {dimensions = array<i32: 0>} : vector<16xi32>
        %rev3A_559 = arith.subi %rev3A_557, %rev3A_558 : vector<16xi32>
        %rev3A_560 = tpu.dynamic_gather %get3A_555[%rev3A_559] in [0] : vector<16xf32>, vector<16xi32> -> vector<16xf32>
        %max3A_561 = arith.maximumf %masked_sort3A_552, %rev3A_560 : vector<16xf32>
        %masked_sort3A_562 = arith.constant dense<true> : vector<16xi1>
        %masked_sort3A_563, %masked_sort3A_564, %masked_sort3A_565 = tpu.sort %max3A_561, %max3A_561 masked %masked_sort3A_562 {descending = true} : (vector<16xf32>, vector<16xf32>, vector<16xi1>) -> (vector<16xi1>, vector<16xf32>, vector<16xf32>)
        %iota3A = tpu.iota {dimensions = array<i32: 0>} : vector<16xi32>
        %get3A_566 = arith.constant 0 : index
        %get3A_567 = tpu.vector_load %arg8[%get3A_566] {strides = array<i32>} : memref<16xf32, #tpu.memory_space<vmem>>, vector<16xf32>,
        %sub3A_568 = arith.constant 1.000000e+00 : f32
        %sub3A_569 = vector.broadcast %sub3A_568 : f32 to vector<16xf32>
        %sub3A_570 = arith.subf %sub3A_569, %get3A_567 : vector<16xf32>
        %add3A_571 = arith.addf %sub3A_570, %masked_sort3A_564 : vector<16xf32>
        %max3A_572 = arith.constant 0.000000e+00 : f32
        %max3A_573 = vector.broadcast %max3A_572 : f32 to vector<16xf32>
        %max3A_574 = arith.maximumf %add3A_571, %max3A_573 : vector<16xf32>
        %lt3A_575 = arith.constant 5 : i32
        %lt3A_576 = vector.broadcast %lt3A_575 : i32 to vector<16xi32>
        %lt3A_577 = arith.cmpi slt, %iota3A, %lt3A_576 : vector<16xi32>
        %jit3A_578 = arith.constant 0.000000e+00 : f32
        %broadcast_in_dim3A_579 = vector.broadcast %jit3A_578 : f32 to vector<16xf32>
        %select_n3A_580 = arith.select %lt3A_577, %max3A_574, %broadcast_in_dim3A_579 : vector<16xi1>, vector<16xf32>
        %reduce_sum3A = arith.constant true
        %reduce_sum3A_581 = vector.broadcast %reduce_sum3A : i1 to vector<16xi1>
        %reduce_sum3A_582 = tpu.scan <sum>, %select_n3A_580 masked %reduce_sum3A_581 : vector<16xf32>, vector<16xi1> -> vector<16xf32>
        %reduce_sum3A_583 = vector.extract %reduce_sum3A_582[15] : f32 from vector<16xf32>
        %mul3A_584 = arith.constant 2.000000e-01 : f32
        %mul3A_585 = arith.mulf %reduce_sum3A_583, %mul3A_584 : f32
        %broadcast_in_dim3A_586 = vector.broadcast %mul3A_585 : f32 to vector<16xf32>
        %swap3A_587 = arith.constant 0 : index
        %swap3A_588 = tpu.vector_load %arg11[%swap3A_587] {strides = array<i32>} : memref<16xf32, #tpu.memory_space<vmem>>, vector<16xf32>,
        tpu.vector_store %arg11[%swap3A_587], %broadcast_in_dim3A_586 {strides = array<i32>} : memref<16xf32, #tpu.memory_space<vmem>>, vector<16xf32>,
        "tpu.region"() ({
          %run_scoped3A = tpu.sem_alloc : memref<!tpu.dma_semaphore, #tpu.memory_space<semaphore_mem>>
          tpu.enqueue_dma source(%arg11 : memref<16xf32, #tpu.memory_space<vmem>>) target(%arg4 : memref<16xf32, #tpu.memory_space<hbm>>) target_semaphore(%run_scoped3A : memref<!tpu.dma_semaphore, #tpu.memory_space<semaphore_mem>>)
          tpu.wait_dma2 semaphore(%run_scoped3A : memref<!tpu.dma_semaphore, #tpu.memory_space<semaphore_mem>>) src(%arg11 : memref<16xf32, #tpu.memory_space<vmem>>) dst(%arg4 : memref<16xf32, #tpu.memory_space<hbm>>)
          tpu.yield
        }) : () -> ()
        "tpu.trace_stop"() : () -> ()
      } else {
      }
    } else {
    }
    return
  }
}

</mosaic_0001>

<sc_bundles>
// kernel: kernel.3.cloned.1.call-start
scs
__scs_entry_jumppad:
0x0: {  	(pc) =	sbr.rel $0x88, $3  }
0x1: {  	(tag) =	ssettag $0x0;
	lr =	simm.s32 $0x1  }
0x2: {  	[smem:$0x3F9E] =	sst lr;
	_ =	strace $0xD0000000  }
0x3: {  	_ = 	snop  }
0x4: {  	_ = 	snop  }
0x5: {  	_ = 	snop  }
0x6: {  	_ = 	snop  }
0x7: {  	_ = 	snop  }
__scs_overlays_trampoline_lowered:
0x8: {  	[smem:$0x3FAD] =	sst s0  }
0x9: {  	[smem:$0x3FAE] =	sst s1  }
0xa: {  	[smem:$0x3FAF] =	sst s2  }
0xb: {  	[smem:$0x3FB0] =	sst s3  }
0xc: {  	[smem:$0x3FB1] =	sst s4  }
0xd: {  	[smem:$0x3FB2] =	sst s5  }
0xe: {  	[smem:$0x3FB3] =	sst s6  }
0xf: {  	[smem:$0x3FB4] =	sst s7  }
0x10: {  	[smem:$0x3FB5] =	sst s8  }
0x11: {  	[smem:$0x3FB6] =	sst s9;
	s0 =	simm.s32 @!p0 $0x0  }
0x12: {  	s1 =	sld [smem:$0x3F9C];
	s0 =	simm.s32 @p0 $0x1  }
0x13: {  	[smem:$0x3FB7] =	sst s0;
	s0 =	simm.s32 @!p1 $0x0  }
0x14: {  	s2 =	sld [smem:$0x3F9B];
	s0 =	simm.s32 @p1 $0x1  }
0x15: {  	[smem:$0x3FB8] =	sst s0;
	s0 =	simm.s32 @!p2 $0x0  }
0x16: {  	s3 =	sld [smem:$0x3FDB];
	s0 =	simm.s32 @p2 $0x1  }
0x17: {  	s4 =	simm.s32 $0x1BF5;
	[smem:$0x3FBA] =	sst s0  }
0x18: {  	s0 =	sld [smem:$0x3F9D];
	_ =	swait.ge [sflag:s4], $0x0  }
0x19: {  	s7 =	sld [smem:$0x3F9E]  }
0x1a: {  	s8 =	sadd.s32 $0xFFFFE003, lr  }
0x1b: {  	s9 =	sadd.s32 $0xFFFFFEF7, lr;
	s5 =	simm.s32 $0xFFFFFFFF;
	p2 =	slt.u32 s8, $0xFFFFF086  }
0x1c: {  	p1 =	slt.u32 s9, $0xF7A;
	s5 =	simm.s32 @!p2 $0x0  }
0x1d: {  	s5 =	simm.s32 @p1 $0x1;
	p0 =	seq.s32 s7, s2  }
0x1e: {  	s7 =	smul.u32 @!p0 $0xF7A, s2;
	p2 =	seq.s32 @!p0 s5, $0x0  }
0x1f: {  	s9 =	smul.u32 $0xF7A, s1;
	s8 =	simm.s32 @!p0 $0x1BF5;
	p2 =	por !p2, p0  }
0x20: {  	[sflag:s8] =	ssyncset.s32 @!p0 $0xFFFFF086;
	s6 =	sadd.s32 @!p0 s3, s7;
	s7 =	simm.s32 @!p0 $0x108  }
0x21: {  	s3 =	sadd.s32 s3, s9;
	s6 =	sadd.s32 @!p0 $0x88, s6;
	s7 =	simm.s32 @p2 $0x1082  }
0x22: {  	[simem:s7], [sflag:s8] =	dma.local @!p0 [hbm:s6], $0xF7A  }
0x23: {  	s9 =	sor.u32 $0xD0000000, s2;
	s6 =	simm.s32 $0x108;
	_ =	swait.ge @!p0 [sflag:s8], $0x0  }
0x24: {  	s3 =	sadd.s32 $0x88, s3;
	s6 =	simm.s32 @!p1 $0x1082;
	[sflag:s4] =	ssyncset.s32 $0xFFFFF086  }
0x25: {  	[simem:s6], [sflag:s4] =	dma.local [hbm:s3], $0xF7A  }
0x26: {  	[smem:$0x3F9E] =	sst s1;
	(tag) =	ssettag s2;
	_ =	strace s9  }
0x27: {  	s1 =	sld [smem:$0x3FAE]  }
0x28: {  	s2 =	sld [smem:$0x3FAF]  }
0x29: {  	s4 =	sld [smem:$0x3FB1]  }
0x2a: {  	p0 =	seq.s32 s5, $0x0;
	s5 =	sld [smem:$0x3FB2]  }
0x2b: {  	s6 =	sld [smem:$0x3FB3]  }
0x2c: {  	s7 =	sld [smem:$0x3FB4]  }
0x2d: {  	s3 =	simm.s32 $0x108;
	s8 =	sld [smem:$0x3FB5]  }
0x2e: {  	s3 =	simm.s32 @!p0 $0x1082;
	s9 =	sld [smem:$0x3FB6]  }
0x2f: {  	lr =	sadd.s32 s0, s3;
	s0 =	sld [smem:$0x3FAD]  }
0x30: {  	s3 =	sld [smem:$0x3FB0]  }
0x31: {  	[smem:$0x3FB9] =	sst s10  }
0x32: {  	s10 =	sld [smem:$0x3FB7];
	_ =	sdelay $0x3  }
0x33: {  	p0 =	seq.s32 s10, $0x1;
	s10 =	sld [smem:$0x3FB9];
	_ =	sdelay $0x3  }
0x34: {  	[smem:$0x3FB9] =	sst s10  }
0x35: {  	s10 =	sld [smem:$0x3FB8];
	_ =	sdelay $0x3  }
0x36: {  	p1 =	seq.s32 s10, $0x1;
	s10 =	sld [smem:$0x3FB9];
	_ =	sdelay $0x3  }
0x37: {  	[smem:$0x3FB9] =	sst s10  }
0x38: {  	s10 =	sld [smem:$0x3FBA]  }
0x39: {  	_ = 	snop;
	(pc) =	sbr.ind lr, $3  }
0x3a: {  	_ = 	snop  }
0x3b: {  	_ = 	snop  }
0x3c: {  	p2 =	seq.s32 s10, $0x1;
	s10 =	sld [smem:$0x3FB9]  }
0x3d: {  	_ =	shalt  }
0x3e: {  	_ =	shalt  }
0x3f: {  	_ =	shalt  }
0x40: {  	_ =	shalt  }
0x41: {  	_ =	shalt  }
0x42: {  	_ =	shalt  }
0x43: {  	_ =	shalt  }
0x44: {  	_ =	shalt  }
0x45: {  	_ =	shalt  }
0x46: {  	_ =	shalt  }
0x47: {  	_ =	shalt  }
0x48: {  	_ =	shalt  }
0x49: {  	_ =	shalt  }
0x4a: {  	_ =	shalt  }
0x4b: {  	_ =	shalt  }
0x4c: {  	_ =	shalt  }
0x4d: {  	_ =	shalt  }
0x4e: {  	_ =	shalt  }
0x4f: {  	_ =	shalt  }
0x50: {  	_ =	shalt  }
0x51: {  	_ =	shalt  }
0x52: {  	_ =	shalt  }
0x53: {  	_ =	shalt  }
0x54: {  	_ =	shalt  }
0x55: {  	_ =	shalt  }
0x56: {  	_ =	shalt  }
0x57: {  	_ =	shalt  }
0x58: {  	_ =	shalt  }
0x59: {  	_ =	shalt  }
0x5a: {  	_ =	shalt  }
0x5b: {  	_ =	shalt  }
0x5c: {  	_ =	shalt  }
0x5d: {  	_ =	shalt  }
0x5e: {  	_ =	shalt  }
0x5f: {  	_ =	shalt  }
0x60: {  	_ =	shalt  }
0x61: {  	_ =	shalt  }
0x62: {  	_ =	shalt  }
0x63: {  	_ =	shalt  }
0x64: {  	_ =	shalt  }
0x65: {  	_ =	shalt  }
0x66: {  	_ =	shalt  }
0x67: {  	_ =	shalt  }
0x68: {  	_ =	shalt  }
0x69: {  	_ =	shalt  }
0x6a: {  	_ =	shalt  }
0x6b: {  	_ =	shalt  }
0x6c: {  	_ =	shalt  }
0x6d: {  	_ =	shalt  }
0x6e: {  	_ =	shalt  }
0x6f: {  	_ =	shalt  }
0x70: {  	_ =	shalt  }
0x71: {  	_ =	shalt  }
0x72: {  	_ =	shalt  }
0x73: {  	_ =	shalt  }
0x74: {  	_ =	shalt  }
0x75: {  	_ =	shalt  }
0x76: {  	_ =	shalt  }
0x77: {  	_ =	shalt  }
0x78: {  	_ =	shalt  }
0x79: {  	_ =	shalt  }
0x7a: {  	_ =	shalt  }
0x7b: {  	_ =	shalt  }
0x7c: {  	_ =	shalt  }
0x7d: {  	_ =	shalt  }
0x7e: {  	_ =	shalt  }
0x7f: {  	_ =	shalt  }
0x80: {  	_ =	shalt  }
0x81: {  	_ =	shalt  }
0x82: {  	_ =	shalt  }
0x83: {  	_ =	shalt  }
0x84: {  	_ =	shalt  }
0x85: {  	_ =	shalt  }
0x86: {  	_ =	shalt  }
0x87: {  	_ =	shalt  }
.Lfunc_end0:
.L_simem_size_0:
called_computation_lowered:
.L_overlay_start_0:
0x88: {  	s0 =	sld [smem:$0x3FD9]  }
0x89: {  	s1 =	sld [smem:$0x3FFE];
	_ =	sdelay $0x3  }
0x8a: {  	s0 =	sadd.s32 s1, s0  }
0x8b: {  	[smem:$0x3FC5] =	sst s0  }
0x8c: {  	_ = 	snop  }
0x8d: {  	s0 =	sld [smem:$0x3FC9]  }
0x8e: {  	s16 =	sld [smem:$0x3FD0];
	(tm) =	ssettm $0x1  }
0x8f: {  	s2 =	sld [smem:$0x3FFB];
	_ =	sdelay $0x3  }
0x90: {  	_ =	strace s2  }
0x91: {  	s2 =	sld [smem:$0x3FFC];
	_ =	sdelay $0x3  }
0x92: {  	_ =	strace s2  }
0x93: {  	s2 =	sld [smem:$0x3FFD];
	_ =	sdelay $0x3  }
0x94: {  	_ =	strace s2  }
0x95: {  	_ =	strace $0x8FFFFFFF  }
0x96: {  	s17 =	sld [smem:$0x3FDB];
	_ =	sdelay $0x1  }
0x97: {  	s3 =	simm.s32 $_scs_section_size  }
0x98: {  	s4 =	simm.s32 $_size__tile_overlayer_lowered;
	s5 =	simm.s32 $_tile_overlayer_lowered  }
0x99: {  	s20 =	simm.s32 $0x1BFF;
	s19 =	sshll.u32 s5, $0x1;
	s2 =	sadd.s32 s3, s17  }
0x9a: {  	s6 =	simm.s32 $0x0;
	s18 =	sshll.u32 s4, $0x1;
	s4 =	sadd.s32 s19, s2  }
0x9b: {  	[timem:s6], [sflag:s20] =	dma.local [hbm:s4], s18  }
0x9c: {  	_ =	swait.ge [sflag:s20], s18  }
0x9d: {  	s3 =	ssub.s32 $0x0, s18;
	[sflag:s20] =	ssyncset.done $0x0  }
0x9e: {  	[sflag:s20] =	ssyncadd.s32 s3;
	_ =	sdelay $0x1  }
0x9f: {  	s21 =	simm.s32 $0x1B8B  }
0xa0: {  	_ =	swait.ge [sflag:s21], $0x1  }
0xa1: {  	[sflag:s21] =	ssyncset.done $0x0  }
0xa2: {  	s23 =	simm.s32 $0x1B8E;
	s22 =	sld [smem:$0x3FFE];
	[sflag:s21] =	ssyncadd.s32 $0xFFFFFFFF  }
0xa3: {  	s24 =	simm.s32 $execute0_lowered;
	[smem:$0x3FD2] =	sst s23  }
0xa4: {  	s4 =	sshll.u32 s24, $0x1;
	_ =	strace $0x80000046;
	[dreg:$0x1] =	wrdreg $0xFFFFFFFF  }
0xa5: {  	s25 =	simm.s32 $_size_execute0_lowered;
	s2 =	sadd.s32 s2, s4;
	[dreg:$0x0] =	wrdreg $0x0  }
0xa6: {  	s4 =	sshll.u32 s25, $0x1;
	[dreg:$0x2] =	wrdreg s2  }
0xa7: {  	[dreg:$0x3] =	wrdreg s4  }
0xa8: {  	[dreg:$0x4] =	wrdreg $0xC0  }
0xa9: {  	_ =	task [dreg:s6], $0x5FFFF  }
0xaa: {  	[dreg:$0x1] =	wrdreg $0xFFFFFFFF  }
0xab: {  	[dreg:$0x0] =	wrdreg $0x60  }
0xac: {  	[dreg:$0x2] =	wrdreg s0  }
0xad: {  	[dreg:$0x3] =	wrdreg s22  }
0xae: {  	[dreg:$0x4] =	wrdreg s16  }
0xaf: {  	[dreg:$0x5] =	wrdreg $0x1C000  }
0xb0: {  	[dreg:$0x6] =	wrdreg $0x9  }
0xb1: {  	_ =	task.clear_ibuf [dreg:s6], $0x7FFFF;
	_ =	strace $0x90000046  }
0xb2: {  	s26 =	simm.s32 $0x9;
	_ =	strace $0x8000004D  }
0xb3: {  	_ =	swait.ge [sflag:s26], $0x1  }
0xb4: {  	[sflag:s26] =	ssyncadd.s32 $0xFFFFFFFF  }
0xb5: {  	_ =	strace $0x9000004D  }
0xb6: {  	_ =	sfence  }
0xb7: {  	s28 =	sld [smem:$0x0];
	_ =	sdelay $0x1  }
0xb8: {  	s29 =	srdreg.scid  }
0xb9: {  	s30 =	sshll.u32 s29, $0xD;
	s31 =	sshrl.u32 s29, $0x2  }
0xba: {  	s1 =	sand.u32 $0x1, s29;
	s2 =	sand.u32 $0x4000, s30;
	s0 =	sadd.s32 s31, s28  }
0xbb: {  	s1 =	sor.u32 s2, s1;
	s0 =	sshll.u32 s0, $0x11  }
0xbc: {  	s0 =	sor.u32 s0, s1  }
0xbd: {  	s0 =	sadd.s32 $0x8F2B, s0  }
0xbe: {  	[sflag:s0] =	ssyncadd.remote.s32 $0x1  }
0xbf: {  	_ =	sfence.sel $0xFFFF  }
0xc0: {  	[dreg:$0x0] =	wrdreg $0xFFFFFFFF;
	(pc) =	sbr.abs _section_cstart, $3  }
0xc1: {  	[dreg:$0x1] =	wrdreg $0xFFFFFFFF  }
0xc2: {  	_ =	task.clear_ibuf [dreg:s6], $0x2FFFF;
	_ =	strace $0x9FFFFFFF  }
0xc3: {  	(tm) =	ssettm $0x7FFFFFFF  }
tec
execute0_lowered:
.L_overlay_start_1:
0x0: {  	(tag) =	ssettag $0x1  }
0x1: {  	s3 =	rddreg [dreg:$0x0]  }
0x2: {  	s7 =	rddreg [dreg:$0x1]  }
0x3: {  	s1 =	rddreg [dreg:$0x2]  }
0x4: {  	s4 =	stileid.u32;
	s2 =	rddreg [dreg:$0x3]  }
0x5: {  	s0 =	rddreg [dreg:$0x4];
	s5 =	simm.s32 $0x0;
	s6 =	smul.u32 $0x1880, s4  }
0x6: {  	s12 =	simm.s32 $0x5C8;
	s18 =	simm.s32 $0xB90;
	[smem:$0x7FF] =	sst s5  }
0x7: {  	_ =	strace $0x80000047;
	s8 =	sshrl.u32 s6, $0x3;
	s9 =	sadd.s32 $0x5C8, s6  }
0x8: {  	_ =	strace $0x80000048;
	s10 =	sadd.s32 s3, s8;
	s9 =	sshrl.u32 s9, $0x3  }
0x9: {  	[tilespmem:s5], [sflag:$0x2] =	stream.linear.gather [hbm4b:s10+s5], $0x5C8, $0x200038;
	[tilespmem:$0x1C10] =	vst v63  }
0xa: {  	p0 =	seq.s32 s4, $0xF;
	s11 =	sadd.s32 $0x1158, s6;
	s9 =	sadd.s32 s3, s9  }
0xb: {  	[tilespmem:s12], [sflag:$0x3] =	stream.linear.gather [hbm4b:s9+s5], $0x5C8, $0x200038;
	[tilespmem:$0x1C10] =	vst v63  }
0xc: {  	s11 =	sshrl.u32 s11, $0x3;
	s8 =	sadd.s32 $0x2E4, s8;
	s10 =	sadd.s32 $0x172, s10  }
0xd: {  	[tilespmem:s18], [sflag:$0x4] =	stream.linear.gather [hbm4b:s10+s5], $0x5C8, $0x200038;
	[tilespmem:$0x1C10] =	vst v63  }
0xe: {  	s20 =	simm.s32 $0x1158;
	s19 =	sadd.s32 s3, s11;
	s8 =	simm.s32 @p0 $0x0  }
0xf: {  	[tilespmem:s20], [sflag:$0x5] =	stream.linear.gather [hbm4b:s19+s5], $0x5C8, $0x200038;
	[tilespmem:$0x1C10] =	vst v63  }
0x10: {  	s21 =	simm.s32 $0x1720;
	s8 =	sadd.s32 s3, s8  }
0x11: {  	[tilespmem:s21], [sflag:$0x6] =	stream.linear.gather [hbm4b:s8+s5], $0x160, $0x200038;
	[tilespmem:$0x1C10] =	vst v63  }
0x12: {  	s22 =	simm.s32 $0x1880;
	s23 =	simm.s32 $0x7;
	s7 =	sadd.s32 $0x600, s7  }
0x13: {  	[tilespmem:s22], [sflag:$0x7] =	stream.linear.gather [hbm4b:s7+s5], $0x80, $0x200038;
	[tilespmem:$0x1C10] =	vst v63  }
0x14: {  	_ =	swait.ge [sflag:s23], $0x80  }
0x15: {  	[sflag:s23] =	ssyncset.done $0x0  }
0x16: {  	s24 =	simm.s32 $0x2;
	[sflag:s23] =	ssyncadd.s32 $0xFFFFFF80  }
0x17: {  	v0 =	vld [tilespmem:$0x1880];
	_ =	swait.ge [sflag:s24], $0x5C8  }
0x18: {  	[sflag:s24] =	ssyncset.done $0x0  }
0x19: {  	s25 =	simm.s32 $0x3;
	[sflag:s24] =	ssyncadd.s32 $0xFFFFFA38  }
0x1a: {  	_ =	swait.ge [sflag:s25], $0x5C8  }
0x1b: {  	[sflag:s25] =	ssyncset.done $0x0  }
0x1c: {  	s26 =	simm.s32 $0x4;
	[sflag:s25] =	ssyncadd.s32 $0xFFFFFA38  }
0x1d: {  	_ =	swait.ge [sflag:s26], $0x5C8  }
0x1e: {  	[sflag:s26] =	ssyncset.done $0x0  }
0x1f: {  	s28 =	simm.s32 $0x5;
	[sflag:s26] =	ssyncadd.s32 $0xFFFFFA38  }
0x20: {  	_ =	swait.ge [sflag:s28], $0x5C8  }
0x21: {  	[sflag:s28] =	ssyncset.done $0x0  }
0x22: {  	s29 =	simm.s32 $0x6;
	[sflag:s28] =	ssyncadd.s32 $0xFFFFFA38  }
0x23: {  	_ =	swait.ge [sflag:s29], $0x160  }
0x24: {  	p0 =	sne.s32 s4, $0xF;
	[sflag:s29] =	ssyncset.done $0x0  }
0x25: {  	v1 =	vimm.f32 @!p0 $-Inf;
	[sflag:s29] =	ssyncadd.s32 $0xFFFFFEA0  }
0x26: {  	[tilespmem:$0x1720] =	vst @!p0 v1  }
0x27: {  	[tilespmem:$0x1730] =	vst @!p0 v1  }
0x28: {  	[tilespmem:$0x1740] =	vst @!p0 v1  }
0x29: {  	[tilespmem:$0x1750] =	vst @!p0 v1  }
0x2a: {  	[tilespmem:$0x1760] =	vst @!p0 v1  }
0x2b: {  	[tilespmem:$0x1770] =	vst @!p0 v1  }
0x2c: {  	[tilespmem:$0x1780] =	vst @!p0 v1  }
0x2d: {  	[tilespmem:$0x1790] =	vst @!p0 v1  }
0x2e: {  	[tilespmem:$0x17A0] =	vst @!p0 v1  }
0x2f: {  	[tilespmem:$0x17B0] =	vst @!p0 v1  }
0x30: {  	[tilespmem:$0x17C0] =	vst @!p0 v1  }
0x31: {  	[tilespmem:$0x17D0] =	vst @!p0 v1  }
0x32: {  	[tilespmem:$0x17E0] =	vst @!p0 v1  }
0x33: {  	[tilespmem:$0x17F0] =	vst @!p0 v1  }
0x34: {  	[tilespmem:$0x1800] =	vst @!p0 v1  }
0x35: {  	[tilespmem:$0x1810] =	vst @!p0 v1  }
0x36: {  	[tilespmem:$0x1820] =	vst @!p0 v1  }
0x37: {  	[tilespmem:$0x1830] =	vst @!p0 v1  }
0x38: {  	[tilespmem:$0x1840] =	vst @!p0 v1  }
0x39: {  	[tilespmem:$0x1850] =	vst @!p0 v1  }
0x3a: {  	[tilespmem:$0x1860] =	vst @!p0 v1  }
0x3b: {  	[tilespmem:$0x1870] =	vst @!p0 v1  }
0x3c: {  	_ =	strace $0x90000048  }
0x3d: {  	_ =	strace $0x80000049  }
0x3e: {  	v1 =	vld [tilespmem:$0x1880];
	_ =	sdelay $0x3  }
0x3f: {  	v2 =	vmov s6  }
0x40: {  	v1 =	vsub.s32 v1, v2  }
0x41: {  	vm0 =	vgt.s32 v1, $0x0  }
0x42: {  	vm1 =	vlt.u32 v1, $0x1880;
	v1 =	vnsel vm0, $0x0, v1  }
0x43: {  	v1 =	vmin.u32 v1, $0x187F;
	_ =	sdelay $0x3  }
0x44: {  	v3 =	vimm.f32 $-Inf  }
0x45: {  	[tilespmem:v1+s5+$0x0] =	vst.idx.msk vm1, v3  }
0x46: {  	v1 =	vld [tilespmem:$0x1890];
	_ =	sdelay $0x4  }
0x47: {  	v1 =	vsub.s32 v1, v2  }
0x48: {  	vm8 =	vgt.s32 v1, $0x0  }
0x49: {  	vm9 =	vlt.u32 v1, $0x1880;
	v1 =	vnsel vm8, $0x0, v1  }
0x4a: {  	v1 =	vmin.u32 v1, $0x187F;
	_ =	sdelay $0x4  }
0x4b: {  	[tilespmem:v1+s5+$0x0] =	vst.idx.msk vm9, v3  }
0x4c: {  	v1 =	vld [tilespmem:$0x18A0];
	_ =	sdelay $0x4  }
0x4d: {  	v1 =	vsub.s32 v1, v2  }
0x4e: {  	vm10 =	vgt.s32 v1, $0x0  }
0x4f: {  	vm11 =	vlt.u32 v1, $0x1880;
	v1 =	vnsel vm10, $0x0, v1  }
0x50: {  	v1 =	vmin.u32 v1, $0x187F;
	_ =	sdelay $0x4  }
0x51: {  	[tilespmem:v1+s5+$0x0] =	vst.idx.msk vm11, v3  }
0x52: {  	v1 =	vld [tilespmem:$0x18B0];
	_ =	sdelay $0x4  }
0x53: {  	v1 =	vsub.s32 v1, v2  }
0x54: {  	vm12 =	vgt.s32 v1, $0x0  }
0x55: {  	vm13 =	vlt.u32 v1, $0x1880;
	v1 =	vnsel vm12, $0x0, v1  }
0x56: {  	v1 =	vmin.u32 v1, $0x187F;
	_ =	sdelay $0x4  }
0x57: {  	[tilespmem:v1+s5+$0x0] =	vst.idx.msk vm13, v3  }
0x58: {  	v1 =	vld [tilespmem:$0x18C0];
	_ =	sdelay $0x4  }
0x59: {  	v1 =	vsub.s32 v1, v2  }
0x5a: {  	vm14 =	vgt.s32 v1, $0x0  }
0x5b: {  	vm15 =	vlt.u32 v1, $0x1880;
	v1 =	vnsel vm14, $0x0, v1  }
0x5c: {  	v1 =	vmin.u32 v1, $0x187F;
	_ =	sdelay $0x4  }
0x5d: {  	[tilespmem:v1+s5+$0x0] =	vst.idx.msk vm15, v3  }
0x5e: {  	_ =	strace $0x90000049  }
0x5f: {  	s30 =	simm.s32 $0x0;
	_ =	strace $0x8000004A  }
0x60: {  	v18 =	vld [tilespmem:s30+$0x30]  }
0x61: {  	v1 =	vld [tilespmem:s30+$0x0]  }
0x62: {  	v20 =	vimm.f32 $-Inf;
	v19 =	vimm.f32 $-Inf;
	v32 =	vimm.f32 $-Inf;
	v2 =	vld [tilespmem:s30+$0x10]  }
0x63: {  	v33 =	vimm.f32 $-Inf;
	v21 =	vimm.f32 $-Inf;
	v22 =	vimm.f32 $-Inf;
	v4 =	vld [tilespmem:s30+$0x20]  }
0x64: {  	v34 =	vimm.f32 $-Inf;
	v35 =	vimm.f32 $-Inf;
	v26 =	vimm.f32 $-Inf  }
0x65: {  	v27 =	vimm.f32 $-Inf;
	v25 =	vimm.f32 $-Inf;
	v30 =	vimm.f32 $-Inf  }
0x66: {  	v28 =	vimm.f32 $-Inf;
	v23 =	vimm.f32 $-Inf;
	v16 =	vmin.f32 v3, v18  }
0x67: {  	v17 =	vmax.f32 v3, v1;
	v14 =	vmax.f32 v3, v2;
	v1 =	vmin.f32 v3, v1  }
0x68: {  	v10 =	vmax.f32 v3, v4;
	v2 =	vmin.f32 v3, v2;
	v4 =	vmin.f32 v3, v4  }
0x69: {  	v13 =	vmin.f32 v3, v16;
	v12 =	vmax.f32 v3, v1;
	v9 =	vmax.f32 v3, v2  }
0x6a: {  	v8 =	vmax.f32 v3, v4;
	v6 =	vmin.f32 v3, v1;
	v36 =	vmin.f32 v3, v2  }
0x6b: {  	v37 =	vmin.f32 v3, v4;
	v4 =	vimm.f32 $-Inf;
	v15 =	vmin.f32 v3, v13  }
0x6c: {  	s31 =	sshll.u32 s4, $0x4;
	v2 =	vimm.f32 $-Inf;
	v1 =	vimm.f32 $-Inf;
	v29 =	vmovc v17;
	v5 =	vmin.f32 v3, v15  }
0x6d: {  	s6 =	simm.s32 $0x200;
	s7 =	simm.s32 $0x40;
	s5 =	sadd.s32 s31, s2;
	v24 =	vmovc v14;
	v31 =	vmovc v10;
	v7 =	vmov v12;
	v11 =	vmax.f32 v3, v5;
	v5 =	vimm.f32 $-Inf  }
.LBB2_1:
0x6e: {  	v3 =	vmax.f32 v3, v6  }
0x6f: {  	p0 =	sne.s32 s6, $0x6100;
	v38 =	vld [tilespmem:s7+$0x30];
	v20 =	vmax.f32 v20, v36;
	v19 =	vmax.f32 v19, v37;
	v39 =	vmovc v9;
	v40 =	vmov v8  }
0x70: {  	v6 =	vmin.f32 v5, v6;
	v36 =	vmin.f32 v32, v36;
	v43 =	vmin.f32 v33, v37;
	v41 =	vld [tilespmem:s7+$0x0];
	v5 =	vmovc v3  }
0x71: {  	v4 =	vmax.f32 v4, v6;
	v21 =	vmax.f32 v21, v36;
	v22 =	vmax.f32 v22, v43;
	v32 =	vmovc v20;
	v37 =	vld [tilespmem:s7+$0x10]  }
0x72: {  	v44 =	vmin.f32 v2, v6;
	v6 =	vmin.f32 v34, v36;
	v34 =	vmin.f32 v35, v43;
	v33 =	vmovc v19;
	v42 =	vld [tilespmem:s7+$0x20]  }
0x73: {  	v27 =	vmax.f32 v27, v18;
	v1 =	vmax.f32 v1, v44;
	v26 =	vmax.f32 v26, v6;
	v2 =	vmovc v4  }
0x74: {  	v30 =	vmax.f32 v30, v16;
	v25 =	vmax.f32 v25, v34;
	v16 =	vmin.f32 v27, v38;
	v18 =	vmovc v38  }
0x75: {  	v28 =	vmax.f32 v28, v13;
	v34 =	vmovc v21;
	v17 =	vmax.f32 v17, v41;
	v13 =	vmin.f32 v30, v16  }
.Ltmp0:
0x76: {  	v23 =	vmax.f32 v23, v15;
	v35 =	vmovc v22;
	v14 =	vmax.f32 v14, v37;
	v15 =	vmin.f32 v28, v13;
	(pc) =	sbr.rel @p0 .LBB2_1-.Ltmp0, $4  }
0x77: {  	v6 =	vmin.f32 v29, v41;
	v29 =	vmovc v17;
	v10 =	vmax.f32 v10, v42;
	v36 =	vmin.f32 v23, v15  }
0x78: {  	v37 =	vmin.f32 v24, v37;
	v38 =	vmin.f32 v31, v42;
	v24 =	vmovc v14;
	v11 =	vmax.f32 v11, v36  }
0x79: {  	v12 =	vmax.f32 v12, v6;
	v9 =	vmax.f32 v9, v37;
	v8 =	vmax.f32 v8, v38;
	v31 =	vmovc v10  }
0x7a: {  	s7 =	sshra.s32 s6, $0x2;
	s6 =	sadd.s32 $0x100, s6;
	v6 =	vmin.f32 v7, v6;
	v7 =	vmovc v12;
	v36 =	vmin.f32 v39, v37;
	v37 =	vmin.f32 v40, v38  }
0x7b: {  	v38 =	vld [tilespmem:s7+$0x30]  }
0x7c: {  	v39 =	vld [tilespmem:s7+$0x0]  }
0x7d: {  	v20 =	vmax.f32 v20, v36;
	v48 =	vld [tilespmem:s7+$0x10]  }
0x7e: {  	v19 =	vmax.f32 v19, v37;
	v32 =	vmin.f32 v32, v36;
	v33 =	vmin.f32 v33, v37;
	v49 =	vld [tilespmem:s7+$0x20]  }
0x7f: {  	v18 =	vmax.f32 v27, v18;
	v16 =	vmax.f32 v30, v16;
	v13 =	vmax.f32 v28, v13  }
0x80: {  	v15 =	vmax.f32 v23, v15;
	v21 =	vmax.f32 v21, v32;
	v32 =	vmin.f32 v34, v32  }
0x81: {  	v22 =	vmax.f32 v22, v33;
	v33 =	vmin.f32 v35, v33;
	v26 =	vmax.f32 v26, v32  }
0x82: {  	v25 =	vmax.f32 v25, v33;
	v27 =	vmin.f32 v18, v38;
	v17 =	vmax.f32 v17, v39  }
0x83: {  	v14 =	vmax.f32 v14, v48;
	v23 =	vmin.f32 v29, v39;
	v10 =	vmax.f32 v10, v49  }
0x84: {  	v24 =	vmin.f32 v24, v48;
	v31 =	vmin.f32 v31, v49;
	v18 =	vmax.f32 v18, v38  }
0x85: {  	v30 =	vmin.f32 v16, v27;
	v12 =	vmax.f32 v12, v23;
	v51 =	vmax.f32 v9, v24  }
0x86: {  	v52 =	vmin.f32 v9, v24;
	v53 =	vmax.f32 v8, v31;
	v54 =	vmin.f32 v8, v31  }
0x87: {  	v16 =	vmax.f32 v16, v27;
	v59 =	vmax.f32 v17, v14;
	v14 =	vmin.f32 v17, v14  }
0x88: {  	v28 =	vmin.f32 v13, v30;
	v55 =	vmax.f32 v20, v52;
	v56 =	vmax.f32 v19, v54  }
0x89: {  	v9 =	vmin.f32 v20, v52;
	v8 =	vmin.f32 v19, v54;
	v13 =	vmax.f32 v13, v30  }
0x8a: {  	v17 =	vmax.f32 v12, v14;
	v60 =	vmax.f32 v59, v51;
	v50 =	vmin.f32 v15, v28  }
0x8b: {  	v57 =	vmax.f32 v21, v9;
	v58 =	vmax.f32 v22, v8;
	v9 =	vmin.f32 v21, v9  }
0x8c: {  	v8 =	vmin.f32 v22, v8;
	v15 =	vmax.f32 v15, v28;
	v21 =	vmin.f32 v59, v51  }
0x8d: {  	v62 =	vmax.f32 v60, v55;
	v22 =	vmin.f32 v60, v55;
	v11 =	vmax.f32 v11, v50  }
0x8e: {  	v9 =	vmax.f32 v26, v9;
	v8 =	vmax.f32 v25, v8;
	v61 =	vmax.f32 v17, v21  }
0x8f: {  	v38 =	vmax.f32 v62, v57;
	v19 =	vmin.f32 v62, v57;
	v63 =	vmax.f32 v61, v22  }
0x90: {  	v39 =	vmax.f32 v38, v9;
	v9 =	vmin.f32 v38, v9;
	v26 =	vmax.f32 v63, v19  }
0x91: {  	v40 =	vmax.f32 v39, v10;
	v10 =	vmin.f32 v39, v10;
	v28 =	vmax.f32 v26, v9  }
0x92: {  	v41 =	vmax.f32 v40, v53;
	v24 =	vmin.f32 v40, v53;
	v29 =	vmax.f32 v28, v10  }
0x93: {  	v42 =	vmax.f32 v41, v56;
	v31 =	vmin.f32 v41, v56;
	v30 =	vmax.f32 v29, v24  }
0x94: {  	v43 =	vmax.f32 v42, v58;
	v20 =	vmin.f32 v42, v58;
	v32 =	vmax.f32 v30, v31  }
0x95: {  	v44 =	vmax.f32 v43, v8;
	v8 =	vmin.f32 v43, v8;
	v33 =	vmax.f32 v32, v20  }
0x96: {  	v45 =	vmax.f32 v44, v18;
	v18 =	vmin.f32 v44, v18;
	v34 =	vmax.f32 v33, v8  }
0x97: {  	v46 =	vmax.f32 v45, v16;
	v16 =	vmin.f32 v45, v16;
	v35 =	vmax.f32 v34, v18  }
0x98: {  	v47 =	vmax.f32 v46, v13;
	v13 =	vmin.f32 v46, v13;
	v36 =	vmax.f32 v35, v16  }
0x99: {  	v48 =	vmax.f32 v47, v15;
	v15 =	vmin.f32 v47, v15;
	v37 =	vmax.f32 v36, v13  }
0x9a: {  	_ =	strace $0x9000004A;
	v40 =	vmax.f32 v48, v11;
	v11 =	vmin.f32 v48, v11;
	v38 =	vmax.f32 v37, v15  }
0x9b: {  	(xrf1) =	vsort.dscd.msk.f32 $0xffff, v40, v40;
	v39 =	vmax.f32 v38, v11  }
0x9c: {  	(xrf1) =	vsort.dscd.msk.f32 $0xffff, v39, v39;
	_ =	sdelay $0x1  }
0x9d: {  	v49 =	vmax.f32 v3, v6;
	v7 =	vmin.f32 v7, v23  }
0x9e: {  	v23 =	vmax.f32 v49, v7;
	v12 =	vmin.f32 v12, v14  }
0x9f: {  	v14 =	vmax.f32 v23, v12;
	v17 =	vmin.f32 v17, v21  }
0xa0: {  	v21 =	vmax.f32 v14, v17;
	v22 =	vmin.f32 v61, v22  }
0xa1: {  	v25 =	vmax.f32 v21, v22;
	v19 =	vmin.f32 v63, v19  }
0xa2: {  	v27 =	vmax.f32 v25, v19;
	v9 =	vmin.f32 v26, v9  }
0xa3: {  	v26 =	vmax.f32 v27, v9;
	v10 =	vmin.f32 v28, v10  }
0xa4: {  	v28 =	vmax.f32 v26, v10;
	v24 =	vmin.f32 v29, v24  }
0xa5: {  	v29 =	vmax.f32 v28, v24;
	v30 =	vmin.f32 v30, v31  }
0xa6: {  	v3 =	vlaneseq.u32;
	v31 =	vmax.f32 v29, v30;
	v20 =	vmin.f32 v32, v20  }
0xa7: {  	v3 =	vmul.u32 $0xFFFFFFFF, v3;
	v32 =	vmax.f32 v31, v20;
	v8 =	vmin.f32 v33, v8  }
0xa8: {  	v33 =	vmax.f32 v32, v8;
	v18 =	vmin.f32 v34, v18;
	v50, _, _ =	vpop (xrf1)  }
0xa9: {  	v3 =	vadd.s32 $0xF, v3;
	v51 =	vmax.f32 v33, v18;
	v16 =	vmin.f32 v35, v16;
	v52, _, _ =	vpop (xrf1)  }
0xaa: {  	v13 =	vmin.f32 v36, v13;
	v53 =	vmax.f32 v51, v16;
	v35 =	vperm.xlane v52, v3  }
0xab: {  	v15 =	vmin.f32 v37, v15;
	v54 =	vmax.f32 v53, v13  }
0xac: {  	v11 =	vmin.f32 v38, v11;
	v55 =	vmax.f32 v54, v15;
	v34 =	vmax.f32 v50, v35  }
0xad: {  	v56 =	vmax.f32 v55, v11;
	(xrf1) =	vsort.dscd.msk.f32 $0xffff, v34, v34  }
0xae: {  	(xrf1) =	vsort.dscd.msk.f32 $0xffff, v56, v56  }
0xaf: {  	v5 =	vmin.f32 v5, v6  }
0xb0: {  	v4 =	vmax.f32 v4, v5;
	v57 =	vmin.f32 v49, v7  }
0xb1: {  	v12 =	vmin.f32 v23, v12;
	v7 =	vmax.f32 v4, v57  }
0xb2: {  	v14 =	vmin.f32 v14, v17;
	v23 =	vmax.f32 v7, v12  }
0xb3: {  	v21 =	vmin.f32 v21, v22;
	v17 =	vmax.f32 v23, v14  }
0xb4: {  	v19 =	vmin.f32 v25, v19;
	v22 =	vmax.f32 v17, v21  }
0xb5: {  	v9 =	vmin.f32 v27, v9;
	v25 =	vmax.f32 v22, v19  }
0xb6: {  	v10 =	vmin.f32 v26, v10;
	v27 =	vmax.f32 v25, v9  }
0xb7: {  	v24 =	vmin.f32 v28, v24;
	v26 =	vmax.f32 v27, v10  }
0xb8: {  	v29 =	vmin.f32 v29, v30;
	v28 =	vmax.f32 v26, v24  }
0xb9: {  	v20 =	vmin.f32 v31, v20;
	v30 =	vmax.f32 v28, v29  }
0xba: {  	v8 =	vmin.f32 v32, v8;
	v31 =	vmax.f32 v30, v20  }
0xbb: {  	v18 =	vmin.f32 v33, v18;
	v32 =	vmax.f32 v31, v8;
	v58, _, _ =	vpop (xrf1)  }
0xbc: {  	v16 =	vmin.f32 v51, v16;
	v59 =	vmax.f32 v32, v18;
	v60, _, _ =	vpop (xrf1)  }
0xbd: {  	v13 =	vmin.f32 v53, v13;
	v61 =	vmax.f32 v59, v16;
	v62 =	vperm.xlane v60, v3  }
0xbe: {  	v15 =	vmin.f32 v54, v15;
	v63 =	vmax.f32 v61, v13  }
0xbf: {  	v11 =	vmin.f32 v55, v11;
	v37 =	vmax.f32 v63, v15;
	v33 =	vmax.f32 v58, v62  }
0xc0: {  	v35 =	vmax.f32 v37, v11;
	(xrf1) =	vsort.dscd.msk.f32 $0xffff, v33, v33  }
0xc1: {  	(xrf1) =	vsort.dscd.msk.f32 $0xffff, v35, v35  }
0xc2: {  	v2 =	vmin.f32 v2, v5  }
0xc3: {  	v1 =	vmax.f32 v1, v2;
	v2 =	vmin.f32 v4, v57  }
0xc4: {  	v1 =	vmax.f32 v1, v2;
	v2 =	vmin.f32 v7, v12  }
0xc5: {  	v1 =	vmax.f32 v1, v2;
	v2 =	vmin.f32 v23, v14  }
0xc6: {  	v1 =	vmax.f32 v1, v2;
	v2 =	vmin.f32 v17, v21  }
0xc7: {  	v1 =	vmax.f32 v1, v2;
	v2 =	vmin.f32 v22, v19  }
0xc8: {  	v1 =	vmax.f32 v1, v2;
	v2 =	vmin.f32 v25, v9  }
0xc9: {  	v1 =	vmax.f32 v1, v2;
	v2 =	vmin.f32 v27, v10  }
0xca: {  	v1 =	vmax.f32 v1, v2;
	v2 =	vmin.f32 v26, v24  }
0xcb: {  	v1 =	vmax.f32 v1, v2;
	v2 =	vmin.f32 v28, v29  }
0xcc: {  	v1 =	vmax.f32 v1, v2;
	v2 =	vmin.f32 v30, v20  }
0xcd: {  	v1 =	vmax.f32 v1, v2;
	v2 =	vmin.f32 v31, v8  }
0xce: {  	v1 =	vmax.f32 v1, v2;
	v2 =	vmin.f32 v32, v18;
	v4, _, _ =	vpop (xrf1)  }
0xcf: {  	v1 =	vmax.f32 v1, v2;
	v2 =	vmin.f32 v59, v16;
	v5, _, _ =	vpop (xrf1)  }
0xd0: {  	v1 =	vmax.f32 v1, v2;
	v2 =	vmin.f32 v61, v13;
	v5 =	vperm.xlane v5, v3  }
0xd1: {  	v1 =	vmax.f32 v1, v2;
	v2 =	vmin.f32 v63, v15  }
0xd2: {  	v1 =	vmax.f32 v1, v2;
	v2 =	vmin.f32 v37, v11;
	v4 =	vmax.f32 v4, v5  }
0xd3: {  	v1 =	vmax.f32 v1, v2;
	(xrf1) =	vsort.dscd.msk.f32 $0xffff, v4, v4  }
0xd4: {  	(xrf1) =	vsort.dscd.msk.f32 $0xffff, v1, v1;
	_ =	sdelay $0xc  }
0xd5: {  	v1, _, _ =	vpop (xrf1)  }
0xd6: {  	v2, _, _ =	vpop (xrf1)  }
0xd7: {  	v2 =	vperm.xlane v2, v3;
	_ =	sdelay $0x1  }
0xd8: {  	v1 =	vmax.f32 v1, v2  }
0xd9: {  	(xrf1) =	vsort.dscd.msk.f32 $0xffff, v1, v1;
	_ =	sdelay $0x8  }
0xda: {  	p0 =	sne.s32 s4, $0x0  }
.Ltmp1:
0xdb: {  	_ = 	snop;
	(pc) =	sbr.rel @!p0 .LBB2_3-.Ltmp1, $2  }
0xdc: {  	_ =	sdelay $0x2  }
0xdd: {  	v1, _, _ =	vpop (xrf1)  }
0xde: {  	_ =	strace $0x8000004B;
	[tilespmem:$0x1A00] =	vst v1;
	s1 =	simm.s32 $0x1A00;
	s31 =	simm.s32 $0x7  }
0xdf: {  	[spmem:s5] =	stream.linear.scatter [tilespmem:s1], [sflag:$0x7], $0x10, $0x200038;
	[tilespmem:$0x1C10] =	vst v63  }
.Ltmp2:
0xe0: {  	_ =	swait.ge [sflag:s31], $0x10;
	(pc) =	sbr.rel .LBB2_5-.Ltmp2, $4  }
0xe1: {  	[sflag:s31] =	ssyncset.done $0x0  }
0xe2: {  	[sflag:s31] =	ssyncadd.s32 $0xFFFFFFF0  }
0xe3: {  	[bflag:$0x0] =	sbarrier.arrive $0xFFFF  }
0xe4: {  	_ =	strace $0x9000004B  }
.LBB2_3:
0xe5: {  	s4 =	simm.s32 $0x10  }
0xe6: {  	[tilespmem:$0x1900] =	vst v0;
	s5 =	simm.s32 $0x1900;
	s6 =	simm.s32 $0x1980;
	s24 =	simm.s32 $0x1  }
0xe7: {  	[tilespmem:s6], [sflag:$0x1] =	stream.indirect.gather [hbm4b:s3+s4], $0x1, s5, s4, $0xb8;
	[tilespmem:$0x1C10] =	vst v63  }
0xe8: {  	_ =	swait.ge [sflag:s24], $0x10  }
0xe9: {  	[sflag:s24] =	ssyncset.done $0x0  }
0xea: {  	[sflag:s24] =	ssyncadd.s32 $0xFFFFFFF0  }
0xeb: {  	s25 =	simm.s32 $0x1A00;
	s26 =	simm.s32 $0x7;
	_ =	strace $0x8000004B;
	[tilespmem:$0x1A00] =	vst v1  }
0xec: {  	[spmem:s2] =	stream.linear.scatter [tilespmem:s25], [sflag:$0x7], $0x10, $0x200038;
	[tilespmem:$0x1C10] =	vst v63  }
0xed: {  	_ =	swait.ge [sflag:s26], $0x10  }
0xee: {  	[sflag:s26] =	ssyncset.done $0x0  }
0xef: {  	[sflag:s26] =	ssyncadd.s32 $0xFFFFFFF0  }
0xf0: {  	[bflag:$0x0] =	sbarrier.arrive $0xFFFF  }
0xf1: {  	_ =	strace $0x9000004B  }
0xf2: {  	s28 =	simm.s32 $0x1A80;
	_ =	strace $0x8000004C  }
0xf3: {  	[tilespmem:s28], [sflag:$0x7] =	stream.linear.gather [spmem:s2], $0x100, $0x200038;
	[tilespmem:$0x1C10] =	vst v63  }
0xf4: {  	_ =	swait.ge [sflag:s26], $0x100  }
0xf5: {  	[sflag:s26] =	ssyncset.done $0x0  }
0xf6: {  	[sflag:s26] =	ssyncadd.s32 $0xFFFFFF00  }
0xf7: {  	v31 =	vld [tilespmem:$0x1A90];
	_ =	sdelay $0x1  }
0xf8: {  	v32 =	vld [tilespmem:$0x1A80];
	_ =	sdelay $0x2  }
0xf9: {  	v0 =	vperm.xlane v31, v3;
	_ =	sdelay $0x1  }
0xfa: {  	v0 =	vmax.f32 v32, v0  }
0xfb: {  	(xrf1) =	vsort.dscd.msk.f32 $0xffff, v0, v0;
	_ =	sdelay $0x7  }
0xfc: {  	v33 =	vld [tilespmem:$0x1AA0];
	_ =	sdelay $0x4  }
0xfd: {  	v0 =	vperm.xlane v33, v3  }
0xfe: {  	v34, _, _ =	vpop (xrf1)  }
0xff: {  	v0 =	vmax.f32 v34, v0  }
0x100: {  	(xrf1) =	vsort.dscd.msk.f32 $0xffff, v0, v0;
	_ =	sdelay $0x7  }
0x101: {  	v35 =	vld [tilespmem:$0x1AB0];
	_ =	sdelay $0x4  }
0x102: {  	v0 =	vperm.xlane v35, v3  }
0x103: {  	v36, _, _ =	vpop (xrf1)  }
0x104: {  	v0 =	vmax.f32 v36, v0  }
0x105: {  	(xrf1) =	vsort.dscd.msk.f32 $0xffff, v0, v0;
	_ =	sdelay $0x7  }
0x106: {  	v37 =	vld [tilespmem:$0x1AC0];
	_ =	sdelay $0x4  }
0x107: {  	v0 =	vperm.xlane v37, v3  }
0x108: {  	v38, _, _ =	vpop (xrf1)  }
0x109: {  	v0 =	vmax.f32 v38, v0  }
0x10a: {  	(xrf1) =	vsort.dscd.msk.f32 $0xffff, v0, v0;
	_ =	sdelay $0x7  }
0x10b: {  	v39 =	vld [tilespmem:$0x1AD0];
	_ =	sdelay $0x4  }
0x10c: {  	v0 =	vperm.xlane v39, v3  }
0x10d: {  	v40, _, _ =	vpop (xrf1)  }
0x10e: {  	v0 =	vmax.f32 v40, v0  }
0x10f: {  	(xrf1) =	vsort.dscd.msk.f32 $0xffff, v0, v0;
	_ =	sdelay $0x7  }
0x110: {  	v41 =	vld [tilespmem:$0x1AE0];
	_ =	sdelay $0x4  }
0x111: {  	v0 =	vperm.xlane v41, v3  }
0x112: {  	v42, _, _ =	vpop (xrf1)  }
0x113: {  	v0 =	vmax.f32 v42, v0  }
0x114: {  	(xrf1) =	vsort.dscd.msk.f32 $0xffff, v0, v0;
	_ =	sdelay $0x7  }
0x115: {  	v43 =	vld [tilespmem:$0x1AF0];
	_ =	sdelay $0x4  }
0x116: {  	v0 =	vperm.xlane v43, v3  }
0x117: {  	v44, _, _ =	vpop (xrf1)  }
0x118: {  	v0 =	vmax.f32 v44, v0  }
0x119: {  	(xrf1) =	vsort.dscd.msk.f32 $0xffff, v0, v0;
	_ =	sdelay $0x7  }
0x11a: {  	v45 =	vld [tilespmem:$0x1B00];
	_ =	sdelay $0x4  }
0x11b: {  	v0 =	vperm.xlane v45, v3  }
0x11c: {  	v46, _, _ =	vpop (xrf1)  }
0x11d: {  	v0 =	vmax.f32 v46, v0  }
0x11e: {  	(xrf1) =	vsort.dscd.msk.f32 $0xffff, v0, v0;
	_ =	sdelay $0x7  }
0x11f: {  	v47 =	vld [tilespmem:$0x1B10];
	_ =	sdelay $0x4  }
0x120: {  	v0 =	vperm.xlane v47, v3  }
0x121: {  	v48, _, _ =	vpop (xrf1)  }
0x122: {  	v0 =	vmax.f32 v48, v0  }
0x123: {  	(xrf1) =	vsort.dscd.msk.f32 $0xffff, v0, v0;
	_ =	sdelay $0x7  }
0x124: {  	v49 =	vld [tilespmem:$0x1B20];
	_ =	sdelay $0x4  }
0x125: {  	v0 =	vperm.xlane v49, v3  }
0x126: {  	v50, _, _ =	vpop (xrf1)  }
0x127: {  	v0 =	vmax.f32 v50, v0  }
0x128: {  	(xrf1) =	vsort.dscd.msk.f32 $0xffff, v0, v0;
	_ =	sdelay $0x7  }
0x129: {  	v51 =	vld [tilespmem:$0x1B30];
	_ =	sdelay $0x4  }
0x12a: {  	v0 =	vperm.xlane v51, v3  }
0x12b: {  	v52, _, _ =	vpop (xrf1)  }
0x12c: {  	v0 =	vmax.f32 v52, v0  }
0x12d: {  	(xrf1) =	vsort.dscd.msk.f32 $0xffff, v0, v0;
	_ =	sdelay $0x7  }
0x12e: {  	v53 =	vld [tilespmem:$0x1B40];
	_ =	sdelay $0x4  }
0x12f: {  	v0 =	vperm.xlane v53, v3  }
0x130: {  	v54, _, _ =	vpop (xrf1)  }
0x131: {  	v0 =	vmax.f32 v54, v0  }
0x132: {  	(xrf1) =	vsort.dscd.msk.f32 $0xffff, v0, v0;
	_ =	sdelay $0x7  }
0x133: {  	v55 =	vld [tilespmem:$0x1B50];
	_ =	sdelay $0x4  }
0x134: {  	v0 =	vperm.xlane v55, v3  }
0x135: {  	v56, _, _ =	vpop (xrf1)  }
0x136: {  	v0 =	vmax.f32 v56, v0  }
0x137: {  	(xrf1) =	vsort.dscd.msk.f32 $0xffff, v0, v0;
	_ =	sdelay $0x7  }
0x138: {  	v57 =	vld [tilespmem:$0x1B60];
	_ =	sdelay $0x4  }
0x139: {  	v0 =	vperm.xlane v57, v3  }
0x13a: {  	v58, _, _ =	vpop (xrf1)  }
0x13b: {  	v0 =	vmax.f32 v58, v0  }
0x13c: {  	(xrf1) =	vsort.dscd.msk.f32 $0xffff, v0, v0;
	_ =	sdelay $0x7  }
0x13d: {  	v59 =	vld [tilespmem:$0x1B70];
	_ =	sdelay $0x4  }
0x13e: {  	v0 =	vperm.xlane v59, v3  }
0x13f: {  	v60, _, _ =	vpop (xrf1)  }
0x140: {  	v0 =	vmax.f32 v60, v0  }
0x141: {  	(xrf1) =	vsort.dscd.msk.f32 $0xffff, v0, v0;
	_ =	sdelay $0x7  }
0x142: {  	v61 =	vld [tilespmem:$0x1980];
	_ =	sdelay $0x4  }
0x143: {  	v0 =	vsub.f32 $1.000000000e+00, v61  }
0x144: {  	v62, _, _ =	vpop (xrf1)  }
0x145: {  	v0 =	vadd.f32 v62, v0;
	_ =	sdelay $0x1  }
0x146: {  	vm0 =	vmmov $0x1f;
	v0 =	vmax.f32 v0, $0.0e+00  }
0x147: {  	v0 =	vnsel vm0, $0x0, v0  }
0x148: {  	(xrf2) =	vadd.scan.msk.f32 $0xffff, v0;
	_ =	sdelay $0x9  }
0x149: {  	v0, _, _ =	vpop (xrf2)  }
0x14a: {  	(v2sf) =	vpush v0, $0xF;
	_ =	sdelay $0xe  }
0x14b: {  	s29 =	spop (v2sf)  }
0x14c: {  	s2 =	smul.f32 $2.000000030e-01, s29;
	_ =	sdelay $0x1  }
0x14d: {  	v63 =	vmov s2  }
0x14e: {  	s30 =	simm.s32 $0x0;
	s31 =	simm.s32 $0x1B80;
	[tilespmem:$0x1B80] =	vst v63  }
0x14f: {  	[hbm4b:s1+s30] =	stream.linear.scatter [tilespmem:s31], [sflag:$0x7], $0x80, $0x200038;
	[tilespmem:$0x1C10] =	vst v63  }
0x150: {  	_ =	swait.ge [sflag:s26], $0x80  }
0x151: {  	[sflag:s26] =	ssyncset.done $0x0  }
0x152: {  	[sflag:s26] =	ssyncadd.s32 $0xFFFFFF80  }
0x153: {  	_ =	strace $0x9000004C  }
.LBB2_5:
0x154: {  	_ =	sfence.sel $0x180000  }
0x155: {  	[bflag:$0x0] =	sbarrier.arrive $0xFFFF  }
0x156: {  	_ =	strace $0x90000047  }
0x157: {  	s0 =	sadd.s32 @!p0 $0x100000, s0;
	[bflag:$0x2] =	sbarrier.arrive $0xFFFF  }
0x158: {  	[sflag:s0] =	ssyncadd.tile.s32 @!p0 $0x1;
	_ =	shalt  }
.Lfunc_end2:
_tile_overlayer_lowered:
.L_overlay_start_2:
0x159: {  	(tag) =	ssettag $0x2  }
0x15a: {  	s0 =	rddreg [dreg:$0x0];
	s2 =	stileid.u32  }
0x15b: {  	s1 =	rddreg [dreg:$0x1];
	p0 =	sne.s32 s2, $0x0  }
0x15c: {  	s3 =	rddreg [dreg:$0x2];
	[bflag:$0x3] =	sbarrier.arrive $0xFFFF;
	s2 =	simm.s32 @!p0 $0x1C07  }
0x15d: {  	[timem:s3], [sflag:s2] =	dma.local @!p0 [hbm:s0], s1  }
0x15e: {  	s0 =	simm.s32 @!p0 $0x7  }
0x15f: {  	_ =	swait.ge @!p0 [sflag:s0], s1  }
0x160: {  	s1 =	ssub.s32 @!p0 $0x0, s1;
	[sflag:s0] =	ssyncset.done @!p0 $0x0  }
0x161: {  	[sflag:s0] =	ssyncadd.s32 @!p0 s1  }
0x162: {  	[bflag:$0x3] =	sbarrier.arrive $0xFFFF  }
0x163: {  	_ =	shalt  }

</sc_bundles>
